<compile_context>
chip_gen: v7x
topology: tpu7x:2x2x1
jax: 0.10.2.dev20260603
libtpu: 0.0.44.dev20260713+nightly
codegen_flags: <defaults>
</compile_context>

<pallas_src>
import functools

import jax
import jax.numpy as jnp
from jax import lax
from jax.experimental import pallas as pl
from jax.experimental.pallas import tpu as pltpu
from jax.experimental.pallas import tpu_sc as plsc

NC = 2
NS = 16
L = 16
NW = NC * NS

C = 16
NBUF = 3


def _body(x_hbm, ids_hbm, tab_hbm, out_hbm, idx_v, buf_r, buf_a,
          gsem, isem, osem, *, pw, nch, h):
    cid = lax.axis_index("c")
    sid = lax.axis_index("s")
    wid = sid * NC + cid
    base = wid * pw

    pltpu.sync_copy(ids_hbm.at[wid], idx_v)

    def gather_copy(ch, b):
        return pltpu.make_async_copy(
            tab_hbm.at[idx_v.at[ch]], buf_r.at[b], gsem.at[b])

    def input_copy(ch, b):
        return pltpu.make_async_copy(
            x_hbm.at[pl.ds(base + ch * C, C)], buf_a.at[b], isem.at[b])

    def out_copy(ch, b):
        return pltpu.make_async_copy(
            buf_a.at[b], out_hbm.at[pl.ds(base + ch * C, C)], osem.at[b])

    for b in range(NBUF - 1):
        gather_copy(b, b).start()
        input_copy(b, b).start()

    def step(ch, carry):
        b = lax.rem(ch, NBUF)
        pf = ch + (NBUF - 1)
        pb = lax.rem(pf, NBUF)

        @pl.when(pf < nch)
        def _():
            gather_copy(pf, pb).start()

        gather_copy(ch, b).wait()
        input_copy(ch, b).wait()

        def row(r, c2):
            for j in range(h // L):
                s = pl.ds(j * L, L)
                plsc.addupdate(buf_a.at[b, r, s], buf_r[b, r, s])
            return c2
        lax.fori_loop(0, C, row, 0)

        out_copy(ch, b).start()

        @pl.when(pf < nch)
        def _():
            @pl.when(ch >= 1)
            def _():
                out_copy(0, pb).wait()
            input_copy(pf, pb).start()
        return carry

    lax.fori_loop(0, nch, step, 0)

    for b in range(NBUF):
        out_copy(0, b).wait()


def kernel(input_ids, position_ids, pos_table):
    bsz, seq, h = input_ids.shape
    tok = bsz * seq
    pw = tok // NW
    nch = pw // C

    x = input_ids.reshape(tok, h)
    ids = position_ids.reshape(NW, nch, C).astype(jnp.int32)

    mesh = plsc.VectorSubcoreMesh(
        core_axis_name="c", subcore_axis_name="s",
        num_cores=NC, num_subcores=NS)

    run = pl.kernel(
        functools.partial(_body, pw=pw, nch=nch, h=h),
        out_type=jax.ShapeDtypeStruct((tok, h), jnp.float32),
        mesh=mesh,
        scratch_types=[
            pltpu.VMEM((nch, C), jnp.int32),
            pltpu.VMEM((NBUF, C, h), jnp.float32),
            pltpu.VMEM((NBUF, C, h), jnp.float32),
            pltpu.SemaphoreType.DMA((NBUF,)),
            pltpu.SemaphoreType.DMA((NBUF,)),
            pltpu.SemaphoreType.DMA((NBUF,)),
        ],
    )
    out = run(x, ids, pos_table)
    return out.reshape(bsz, seq, h)

# --- scband reference (transcript-rebuilt; emitter-appended) ---
"""Pipeline reference for scband-positional-embedding-66958540144706 (READ-ONLY COPY).

The authoritative reference and input builder live on the scoring server;
editing this copy changes nothing except your own understanding.
"""

import jax, jax.numpy as jnp
import numpy as np

B, S, H = 4, 8192, 1024
MAX_POS = 8192

def setup_inputs(seed: int = 0) -> dict:
    key = jax.random.key(seed)
    k1, k2, k3 = jax.random.split(key, 3)
    input_ids = jax.random.normal(k1, (B, S, H), dtype=jnp.float32)
    position_ids = jax.random.randint(k2, (B, S), 0, MAX_POS, dtype=jnp.int64) if jax.config.jax_enable_x64 else jax.random.randint(k2, (B, S), 0, MAX_POS).astype(jnp.int32)
    pos_table = jax.random.normal(k3, (MAX_POS, H), dtype=jnp.float32) * 0.02
    return {"input_ids": input_ids, "position_ids": position_ids, "pos_table": pos_table}

def reference(input_ids, position_ids, pos_table):
    # PositionalEmbedding.forward: pos_emb = Embedding(position_ids); x = input_ids + pos_emb
    # has_embedding_layernorm=False, has_embedding_scale=False -> no further ops
    pos_emb = jnp.take(pos_table, position_ids, axis=0)
    x = input_ids + pos_emb
    return x

if __name__ == "__main__":
    import jax
    _d = setup_inputs()
    print(jax.jit(kernel)(*tuple(_d.values())))

</pallas_src>

<mosaic_0001>
#map = affine_map<(d0, d1) -> (0, 0)>
#map1 = affine_map<(d0, d1) -> (0, 0, 0)>
module attributes {stable_mosaic.version = 14 : i64} {
  func.func @_body(%arg0: i32, %arg1: i32, %arg2: memref<32768x1024xf32, #tpu.memory_space<hbm>>, %arg3: memref<32x64x16xi32, #tpu.memory_space<hbm>>, %arg4: memref<8192x1024xf32, #tpu.memory_space<hbm>>, %arg5: memref<32768x1024xf32, #tpu.memory_space<hbm>>, %arg6: memref<64x16xi32, #tpu.memory_space<vmem>>, %arg7: memref<3x16x1024xf32, #tpu.memory_space<vmem>>, %arg8: memref<3x16x1024xf32, #tpu.memory_space<vmem>>, %arg9: memref<3x!tpu.dma_semaphore, #tpu.memory_space<semaphore_mem>>, %arg10: memref<3x!tpu.dma_semaphore, #tpu.memory_space<semaphore_mem>>, %arg11: memref<3x!tpu.dma_semaphore, #tpu.memory_space<semaphore_mem>>) attributes {dimension_semantics = [#tpu.dimension_semantics<core_parallel>, #tpu.dimension_semantics<subcore_parallel>], iteration_bounds = array<i64: 2, 16>, scalar_prefetch = 0 : i64, scratch_operands = 6 : i64, tpu.core_type = #tpu.core_type<sc_vector_subcore>, window_params = [{transform_indices = #map}, {transform_indices = #map1}, {transform_indices = #map}, {transform_indices = #map}]} {
    %mul3A = arith.constant 2 : i32
    %mul3A_0 = arith.muli %arg1, %mul3A : i32
    %add3A = arith.addi %mul3A_0, %arg0 : i32
    %mul3A_1 = arith.constant 1024 : i32
    %mul3A_2 = arith.muli %add3A, %mul3A_1 : i32
    "tpu.region"() ({
      %run_scoped3A = tpu.sem_alloc : memref<!tpu.dma_semaphore, #tpu.memory_space<semaphore_mem>>
      %dma_start3A_126 = arith.constant 0 : i32
      %dma_start3A_127 = arith.constant 0 : i32
      %dma_start3A_128 = tpu.memref_slice %arg3[%add3A, %dma_start3A_126, %dma_start3A_127] : memref<32x64x16xi32, #tpu.memory_space<hbm>> -> memref<1x64x16xi32, #tpu.memory_space<hbm>>
      %dma_start3A_129 = tpu.memref_squeeze %dma_start3A_128 : memref<1x64x16xi32, #tpu.memory_space<hbm>> -> memref<64x16xi32, #tpu.memory_space<hbm>>
      %dma_start3A_130 = arith.constant 0 : i32
      %dma_start3A_131 = arith.constant 0 : i32
      %dma_start3A_132 = tpu.memref_slice %arg3[%add3A, %dma_start3A_130, %dma_start3A_131] : memref<32x64x16xi32, #tpu.memory_space<hbm>> -> memref<1x64x16xi32, #tpu.memory_space<hbm>>
      %dma_start3A_133 = tpu.memref_squeeze %dma_start3A_132 : memref<1x64x16xi32, #tpu.memory_space<hbm>> -> memref<64x16xi32, #tpu.memory_space<hbm>>
      tpu.enqueue_dma source(%dma_start3A_133 : memref<64x16xi32, #tpu.memory_space<hbm>>) target(%arg6 : memref<64x16xi32, #tpu.memory_space<vmem>>) target_semaphore(%run_scoped3A : memref<!tpu.dma_semaphore, #tpu.memory_space<semaphore_mem>>)
      %dma_wait3A_134 = arith.constant 0 : i32
      %dma_wait3A_135 = arith.constant 0 : i32
      %dma_wait3A_136 = tpu.memref_slice %arg3[%add3A, %dma_wait3A_134, %dma_wait3A_135] : memref<32x64x16xi32, #tpu.memory_space<hbm>> -> memref<1x64x16xi32, #tpu.memory_space<hbm>>
      %dma_wait3A_137 = tpu.memref_squeeze %dma_wait3A_136 : memref<1x64x16xi32, #tpu.memory_space<hbm>> -> memref<64x16xi32, #tpu.memory_space<hbm>>
      %dma_wait3A_138 = arith.constant 0 : i32
      %dma_wait3A_139 = arith.constant 0 : i32
      %dma_wait3A_140 = tpu.memref_slice %arg3[%add3A, %dma_wait3A_138, %dma_wait3A_139] : memref<32x64x16xi32, #tpu.memory_space<hbm>> -> memref<1x64x16xi32, #tpu.memory_space<hbm>>
      %dma_wait3A_141 = tpu.memref_squeeze %dma_wait3A_140 : memref<1x64x16xi32, #tpu.memory_space<hbm>> -> memref<64x16xi32, #tpu.memory_space<hbm>>
      tpu.wait_dma2 semaphore(%run_scoped3A : memref<!tpu.dma_semaphore, #tpu.memory_space<semaphore_mem>>) src(%dma_wait3A_141 : memref<64x16xi32, #tpu.memory_space<hbm>>) dst(%arg6 : memref<64x16xi32, #tpu.memory_space<vmem>>)
      tpu.yield
    }) : () -> ()
    %dma_start3A = arith.constant 0 : i32
    %dma_start3A_3 = arith.constant 0 : i32
    %dma_start3A_4 = arith.constant 0 : i32
    %dma_start3A_5 = arith.constant 0 : i32
    %dma_start3A_6 = arith.constant 0 : i32
    %dma_start3A_7 = tpu.memref_slice %arg7[%dma_start3A_3, %dma_start3A_5, %dma_start3A_6] : memref<3x16x1024xf32, #tpu.memory_space<vmem>> -> memref<1x16x1024xf32, #tpu.memory_space<vmem>>
    %dma_start3A_8 = tpu.memref_squeeze %dma_start3A_7 : memref<1x16x1024xf32, #tpu.memory_space<vmem>> -> memref<16x1024xf32, #tpu.memory_space<vmem>>
    %dma_start3A_9 = arith.constant 0 : i32
    %dma_start3A_10 = tpu.memref_slice %arg6[%dma_start3A, %dma_start3A_9] : memref<64x16xi32, #tpu.memory_space<vmem>> -> memref<1x16xi32, #tpu.memory_space<vmem>>
    %dma_start3A_11 = tpu.memref_squeeze %dma_start3A_10 : memref<1x16xi32, #tpu.memory_space<vmem>> -> memref<16xi32, #tpu.memory_space<vmem>>
    %dma_start3A_12 = arith.constant 0 : i32
    %dma_start3A_13 = arith.constant 0 : i32
    %dma_start3A_14 = tpu.memref_slice %arg4[%dma_start3A_12, %dma_start3A_13] : memref<8192x1024xf32, #tpu.memory_space<hbm>> -> memref<8192x1024xf32, #tpu.memory_space<hbm>>
    %dma_start3A_15 = tpu.memref_slice %arg9[%dma_start3A_4] : memref<3x!tpu.dma_semaphore, #tpu.memory_space<semaphore_mem>> -> memref<1x!tpu.dma_semaphore, #tpu.memory_space<semaphore_mem>>
    %dma_start3A_16 = tpu.memref_squeeze %dma_start3A_15 : memref<1x!tpu.dma_semaphore, #tpu.memory_space<semaphore_mem>> -> memref<!tpu.dma_semaphore, #tpu.memory_space<semaphore_mem>>
    tpu.enqueue_indirect_dma source(%dma_start3A_14 : memref<8192x1024xf32, #tpu.memory_space<hbm>>) target(%dma_start3A_8 : memref<16x1024xf32, #tpu.memory_space<vmem>>) offsets(%dma_start3A_11 : memref<16xi32, #tpu.memory_space<vmem>>) semaphore(%dma_start3A_16 : memref<!tpu.dma_semaphore, #tpu.memory_space<semaphore_mem>>)
    %add3A_17 = arith.constant 0 : i32
    %add3A_18 = arith.addi %mul3A_2, %add3A_17 : i32
    %dma_start3A_19 = arith.constant 0 : i32
    %dma_start3A_20 = arith.constant 0 : i32
    %dma_start3A_21 = arith.constant 0 : i32
    %dma_start3A_22 = arith.constant 0 : i32
    %dma_start3A_23 = tpu.memref_slice %arg8[%dma_start3A_19, %dma_start3A_21, %dma_start3A_22] : memref<3x16x1024xf32, #tpu.memory_space<vmem>> -> memref<1x16x1024xf32, #tpu.memory_space<vmem>>
    %dma_start3A_24 = tpu.memref_squeeze %dma_start3A_23 : memref<1x16x1024xf32, #tpu.memory_space<vmem>> -> memref<16x1024xf32, #tpu.memory_space<vmem>>
    %dma_start3A_25 = arith.constant 0 : i32
    %dma_start3A_26 = tpu.memref_slice %arg2[%add3A_18, %dma_start3A_25] : memref<32768x1024xf32, #tpu.memory_space<hbm>> -> memref<16x1024xf32, #tpu.memory_space<hbm>>
    %dma_start3A_27 = tpu.memref_slice %arg10[%dma_start3A_20] : memref<3x!tpu.dma_semaphore, #tpu.memory_space<semaphore_mem>> -> memref<1x!tpu.dma_semaphore, #tpu.memory_space<semaphore_mem>>
    %dma_start3A_28 = tpu.memref_squeeze %dma_start3A_27 : memref<1x!tpu.dma_semaphore, #tpu.memory_space<semaphore_mem>> -> memref<!tpu.dma_semaphore, #tpu.memory_space<semaphore_mem>>
    %dma_start3A_29 = arith.constant 0 : i32
    %dma_start3A_30 = arith.constant 0 : i32
    %dma_start3A_31 = tpu.memref_slice %arg8[%dma_start3A_19, %dma_start3A_29, %dma_start3A_30] : memref<3x16x1024xf32, #tpu.memory_space<vmem>> -> memref<1x16x1024xf32, #tpu.memory_space<vmem>>
    %dma_start3A_32 = tpu.memref_squeeze %dma_start3A_31 : memref<1x16x1024xf32, #tpu.memory_space<vmem>> -> memref<16x1024xf32, #tpu.memory_space<vmem>>
    %dma_start3A_33 = arith.constant 0 : i32
    %dma_start3A_34 = tpu.memref_slice %arg2[%add3A_18, %dma_start3A_33] : memref<32768x1024xf32, #tpu.memory_space<hbm>> -> memref<16x1024xf32, #tpu.memory_space<hbm>>
    tpu.enqueue_dma source(%dma_start3A_34 : memref<16x1024xf32, #tpu.memory_space<hbm>>) target(%dma_start3A_32 : memref<16x1024xf32, #tpu.memory_space<vmem>>) target_semaphore(%dma_start3A_28 : memref<!tpu.dma_semaphore, #tpu.memory_space<semaphore_mem>>)
    %dma_start3A_35 = arith.constant 1 : i32
    %dma_start3A_36 = arith.constant 1 : i32
    %dma_start3A_37 = arith.constant 1 : i32
    %dma_start3A_38 = arith.constant 0 : i32
    %dma_start3A_39 = arith.constant 0 : i32
    %dma_start3A_40 = tpu.memref_slice %arg7[%dma_start3A_36, %dma_start3A_38, %dma_start3A_39] : memref<3x16x1024xf32, #tpu.memory_space<vmem>> -> memref<1x16x1024xf32, #tpu.memory_space<vmem>>
    %dma_start3A_41 = tpu.memref_squeeze %dma_start3A_40 : memref<1x16x1024xf32, #tpu.memory_space<vmem>> -> memref<16x1024xf32, #tpu.memory_space<vmem>>
    %dma_start3A_42 = arith.constant 0 : i32
    %dma_start3A_43 = tpu.memref_slice %arg6[%dma_start3A_35, %dma_start3A_42] : memref<64x16xi32, #tpu.memory_space<vmem>> -> memref<1x16xi32, #tpu.memory_space<vmem>>
    %dma_start3A_44 = tpu.memref_squeeze %dma_start3A_43 : memref<1x16xi32, #tpu.memory_space<vmem>> -> memref<16xi32, #tpu.memory_space<vmem>>
    %dma_start3A_45 = arith.constant 0 : i32
    %dma_start3A_46 = arith.constant 0 : i32
    %dma_start3A_47 = tpu.memref_slice %arg4[%dma_start3A_45, %dma_start3A_46] : memref<8192x1024xf32, #tpu.memory_space<hbm>> -> memref<8192x1024xf32, #tpu.memory_space<hbm>>
    %dma_start3A_48 = tpu.memref_slice %arg9[%dma_start3A_37] : memref<3x!tpu.dma_semaphore, #tpu.memory_space<semaphore_mem>> -> memref<1x!tpu.dma_semaphore, #tpu.memory_space<semaphore_mem>>
    %dma_start3A_49 = tpu.memref_squeeze %dma_start3A_48 : memref<1x!tpu.dma_semaphore, #tpu.memory_space<semaphore_mem>> -> memref<!tpu.dma_semaphore, #tpu.memory_space<semaphore_mem>>
    tpu.enqueue_indirect_dma source(%dma_start3A_47 : memref<8192x1024xf32, #tpu.memory_space<hbm>>) target(%dma_start3A_41 : memref<16x1024xf32, #tpu.memory_space<vmem>>) offsets(%dma_start3A_44 : memref<16xi32, #tpu.memory_space<vmem>>) semaphore(%dma_start3A_49 : memref<!tpu.dma_semaphore, #tpu.memory_space<semaphore_mem>>)
    %add3A_50 = arith.constant 16 : i32
    %add3A_51 = arith.addi %mul3A_2, %add3A_50 : i32
    %dma_start3A_52 = arith.constant 1 : i32
    %dma_start3A_53 = arith.constant 1 : i32
    %dma_start3A_54 = arith.constant 0 : i32
    %dma_start3A_55 = arith.constant 0 : i32
    %dma_start3A_56 = tpu.memref_slice %arg8[%dma_start3A_52, %dma_start3A_54, %dma_start3A_55] : memref<3x16x1024xf32, #tpu.memory_space<vmem>> -> memref<1x16x1024xf32, #tpu.memory_space<vmem>>
    %dma_start3A_57 = tpu.memref_squeeze %dma_start3A_56 : memref<1x16x1024xf32, #tpu.memory_space<vmem>> -> memref<16x1024xf32, #tpu.memory_space<vmem>>
    %dma_start3A_58 = arith.constant 0 : i32
    %dma_start3A_59 = tpu.memref_slice %arg2[%add3A_51, %dma_start3A_58] : memref<32768x1024xf32, #tpu.memory_space<hbm>> -> memref<16x1024xf32, #tpu.memory_space<hbm>>
    %dma_start3A_60 = tpu.memref_slice %arg10[%dma_start3A_53] : memref<3x!tpu.dma_semaphore, #tpu.memory_space<semaphore_mem>> -> memref<1x!tpu.dma_semaphore, #tpu.memory_space<semaphore_mem>>
    %dma_start3A_61 = tpu.memref_squeeze %dma_start3A_60 : memref<1x!tpu.dma_semaphore, #tpu.memory_space<semaphore_mem>> -> memref<!tpu.dma_semaphore, #tpu.memory_space<semaphore_mem>>
    %dma_start3A_62 = arith.constant 0 : i32
    %dma_start3A_63 = arith.constant 0 : i32
    %dma_start3A_64 = tpu.memref_slice %arg8[%dma_start3A_52, %dma_start3A_62, %dma_start3A_63] : memref<3x16x1024xf32, #tpu.memory_space<vmem>> -> memref<1x16x1024xf32, #tpu.memory_space<vmem>>
    %dma_start3A_65 = tpu.memref_squeeze %dma_start3A_64 : memref<1x16x1024xf32, #tpu.memory_space<vmem>> -> memref<16x1024xf32, #tpu.memory_space<vmem>>
    %dma_start3A_66 = arith.constant 0 : i32
    %dma_start3A_67 = tpu.memref_slice %arg2[%add3A_51, %dma_start3A_66] : memref<32768x1024xf32, #tpu.memory_space<hbm>> -> memref<16x1024xf32, #tpu.memory_space<hbm>>
    tpu.enqueue_dma source(%dma_start3A_67 : memref<16x1024xf32, #tpu.memory_space<hbm>>) target(%dma_start3A_65 : memref<16x1024xf32, #tpu.memory_space<vmem>>) target_semaphore(%dma_start3A_61 : memref<!tpu.dma_semaphore, #tpu.memory_space<semaphore_mem>>)
    %scan3A = arith.constant 0 : i32
    %scan3A_68 = arith.constant 0 : i32
    %scan3A_69 = arith.constant 64 : i32
    %scan3A_70 = arith.addi %scan3A_68, %scan3A_69 : i32
    %scan3A_71 = arith.constant 1 : i32
    scf.for %scan3A_126 = %scan3A_68 to %scan3A_70 step %scan3A_71  : i32 {
      %rem3A = arith.constant 3 : i32
      %rem3A_127 = arith.remsi %scan3A_126, %rem3A : i32
      %add3A_128 = arith.constant 2 : i32
      %add3A_129 = arith.addi %scan3A_126, %add3A_128 : i32
      %rem3A_130 = arith.constant 3 : i32
      %rem3A_131 = arith.remsi %add3A_129, %rem3A_130 : i32
      %lt3A = arith.constant 64 : i32
      %lt3A_132 = arith.cmpi slt, %add3A_129, %lt3A : i32
      %convert_element_type3A = arith.extui %lt3A_132 : i1 to i32
      %cond3A = arith.constant 0 : i32
      %cond3A_133 = arith.cmpi ne, %convert_element_type3A, %cond3A : i32
      scf.if %cond3A_133 {
        %dma_start3A_191 = arith.constant 0 : i32
        %dma_start3A_192 = arith.constant 0 : i32
        %dma_start3A_193 = tpu.memref_slice %arg7[%rem3A_131, %dma_start3A_191, %dma_start3A_192] : memref<3x16x1024xf32, #tpu.memory_space<vmem>> -> memref<1x16x1024xf32, #tpu.memory_space<vmem>>
        %dma_start3A_194 = tpu.memref_squeeze %dma_start3A_193 : memref<1x16x1024xf32, #tpu.memory_space<vmem>> -> memref<16x1024xf32, #tpu.memory_space<vmem>>
        %dma_start3A_195 = arith.constant 0 : i32
        %dma_start3A_196 = tpu.memref_slice %arg6[%add3A_129, %dma_start3A_195] : memref<64x16xi32, #tpu.memory_space<vmem>> -> memref<1x16xi32, #tpu.memory_space<vmem>>
        %dma_start3A_197 = tpu.memref_squeeze %dma_start3A_196 : memref<1x16xi32, #tpu.memory_space<vmem>> -> memref<16xi32, #tpu.memory_space<vmem>>
        %dma_start3A_198 = arith.constant 0 : i32
        %dma_start3A_199 = arith.constant 0 : i32
        %dma_start3A_200 = tpu.memref_slice %arg4[%dma_start3A_198, %dma_start3A_199] : memref<8192x1024xf32, #tpu.memory_space<hbm>> -> memref<8192x1024xf32, #tpu.memory_space<hbm>>
        %dma_start3A_201 = tpu.memref_slice %arg9[%rem3A_131] : memref<3x!tpu.dma_semaphore, #tpu.memory_space<semaphore_mem>> -> memref<1x!tpu.dma_semaphore, #tpu.memory_space<semaphore_mem>>
        %dma_start3A_202 = tpu.memref_squeeze %dma_start3A_201 : memref<1x!tpu.dma_semaphore, #tpu.memory_space<semaphore_mem>> -> memref<!tpu.dma_semaphore, #tpu.memory_space<semaphore_mem>>
        tpu.enqueue_indirect_dma source(%dma_start3A_200 : memref<8192x1024xf32, #tpu.memory_space<hbm>>) target(%dma_start3A_194 : memref<16x1024xf32, #tpu.memory_space<vmem>>) offsets(%dma_start3A_197 : memref<16xi32, #tpu.memory_space<vmem>>) semaphore(%dma_start3A_202 : memref<!tpu.dma_semaphore, #tpu.memory_space<semaphore_mem>>)
      } else {
      }
      %dma_wait3A_134 = arith.constant 0 : i32
      %dma_wait3A_135 = arith.constant 0 : i32
      %dma_wait3A_136 = tpu.memref_slice %arg7[%rem3A_127, %dma_wait3A_134, %dma_wait3A_135] : memref<3x16x1024xf32, #tpu.memory_space<vmem>> -> memref<1x16x1024xf32, #tpu.memory_space<vmem>>
      %dma_wait3A_137 = tpu.memref_squeeze %dma_wait3A_136 : memref<1x16x1024xf32, #tpu.memory_space<vmem>> -> memref<16x1024xf32, #tpu.memory_space<vmem>>
      %dma_wait3A_138 = arith.constant 0 : i32
      %dma_wait3A_139 = tpu.memref_slice %arg6[%scan3A_126, %dma_wait3A_138] : memref<64x16xi32, #tpu.memory_space<vmem>> -> memref<1x16xi32, #tpu.memory_space<vmem>>
      %dma_wait3A_140 = tpu.memref_squeeze %dma_wait3A_139 : memref<1x16xi32, #tpu.memory_space<vmem>> -> memref<16xi32, #tpu.memory_space<vmem>>
      %dma_wait3A_141 = arith.constant 0 : i32
      %dma_wait3A_142 = arith.constant 0 : i32
      %dma_wait3A_143 = tpu.memref_slice %arg4[%dma_wait3A_141, %dma_wait3A_142] : memref<8192x1024xf32, #tpu.memory_space<hbm>> -> memref<8192x1024xf32, #tpu.memory_space<hbm>>
      %dma_wait3A_144 = tpu.memref_slice %arg9[%rem3A_127] : memref<3x!tpu.dma_semaphore, #tpu.memory_space<semaphore_mem>> -> memref<1x!tpu.dma_semaphore, #tpu.memory_space<semaphore_mem>>
      %dma_wait3A_145 = tpu.memref_squeeze %dma_wait3A_144 : memref<1x!tpu.dma_semaphore, #tpu.memory_space<semaphore_mem>> -> memref<!tpu.dma_semaphore, #tpu.memory_space<semaphore_mem>>
      tpu.wait_indirect_dma semaphore(%dma_wait3A_145 : memref<!tpu.dma_semaphore, #tpu.memory_space<semaphore_mem>>) src(%dma_wait3A_143 : memref<8192x1024xf32, #tpu.memory_space<hbm>>) dst(%dma_wait3A_137 : memref<16x1024xf32, #tpu.memory_space<vmem>>)
      %mul3A_146 = arith.constant 16 : i32
      %mul3A_147 = arith.muli %scan3A_126, %mul3A_146 : i32
      %add3A_148 = arith.addi %mul3A_2, %mul3A_147 : i32
      %dma_wait3A_149 = arith.constant 0 : i32
      %dma_wait3A_150 = arith.constant 0 : i32
      %dma_wait3A_151 = tpu.memref_slice %arg8[%rem3A_127, %dma_wait3A_149, %dma_wait3A_150] : memref<3x16x1024xf32, #tpu.memory_space<vmem>> -> memref<1x16x1024xf32, #tpu.memory_space<vmem>>
      %dma_wait3A_152 = tpu.memref_squeeze %dma_wait3A_151 : memref<1x16x1024xf32, #tpu.memory_space<vmem>> -> memref<16x1024xf32, #tpu.memory_space<vmem>>
      %dma_wait3A_153 = arith.constant 0 : i32
      %dma_wait3A_154 = tpu.memref_slice %arg2[%add3A_148, %dma_wait3A_153] : memref<32768x1024xf32, #tpu.memory_space<hbm>> -> memref<16x1024xf32, #tpu.memory_space<hbm>>
      %dma_wait3A_155 = tpu.memref_slice %arg10[%rem3A_127] : memref<3x!tpu.dma_semaphore, #tpu.memory_space<semaphore_mem>> -> memref<1x!tpu.dma_semaphore, #tpu.memory_space<semaphore_mem>>
      %dma_wait3A_156 = tpu.memref_squeeze %dma_wait3A_155 : memref<1x!tpu.dma_semaphore, #tpu.memory_space<semaphore_mem>> -> memref<!tpu.dma_semaphore, #tpu.memory_space<semaphore_mem>>
      %dma_wait3A_157 = arith.constant 0 : i32
      %dma_wait3A_158 = arith.constant 0 : i32
      %dma_wait3A_159 = tpu.memref_slice %arg8[%rem3A_127, %dma_wait3A_157, %dma_wait3A_158] : memref<3x16x1024xf32, #tpu.memory_space<vmem>> -> memref<1x16x1024xf32, #tpu.memory_space<vmem>>
      %dma_wait3A_160 = tpu.memref_squeeze %dma_wait3A_159 : memref<1x16x1024xf32, #tpu.memory_space<vmem>> -> memref<16x1024xf32, #tpu.memory_space<vmem>>
      %dma_wait3A_161 = arith.constant 0 : i32
      %dma_wait3A_162 = tpu.memref_slice %arg2[%add3A_148, %dma_wait3A_161] : memref<32768x1024xf32, #tpu.memory_space<hbm>> -> memref<16x1024xf32, #tpu.memory_space<hbm>>
      tpu.wait_dma2 semaphore(%dma_wait3A_156 : memref<!tpu.dma_semaphore, #tpu.memory_space<semaphore_mem>>) src(%dma_wait3A_162 : memref<16x1024xf32, #tpu.memory_space<hbm>>) dst(%dma_wait3A_160 : memref<16x1024xf32, #tpu.memory_space<vmem>>)
      %scan3A_163 = arith.constant 0 : i32
      %scan3A_164 = arith.constant 0 : i32
      %scan3A_165 = arith.constant 16 : i32
      %scan3A_166 = arith.addi %scan3A_164, %scan3A_165 : i32
      %scan3A_167 = arith.constant 1 : i32
      scf.for %scan3A_191 = %scan3A_164 to %scan3A_166 step %scan3A_167  : i32 {
        %get3A = arith.index_cast %rem3A_127 : i32 to index
        %get3A_192 = arith.index_cast %scan3A_191 : i32 to index
        %get3A_193 = arith.constant 0 : index
        %get3A_194 = tpu.vector_load %arg7[%get3A, %get3A_192, %get3A_193] {strides = array<i32>} : memref<3x16x1024xf32, #tpu.memory_space<vmem>>, vector<1x1x16xf32>,
        %get3A_195 = vector.shape_cast %get3A_194 : vector<1x1x16xf32> to vector<16xf32>
        %swap3A = arith.index_cast %rem3A_127 : i32 to index
        %swap3A_196 = arith.index_cast %scan3A_191 : i32 to index
        %swap3A_197 = arith.constant 0 : index
        %swap3A_198 = tpu.vector_load %arg8[%swap3A, %swap3A_196, %swap3A_197] {strides = array<i32>} : memref<3x16x1024xf32, #tpu.memory_space<vmem>>, vector<1x1x16xf32>,
        %swap3A_199 = vector.shape_cast %swap3A_198 : vector<1x1x16xf32> to vector<16xf32>
        %swap3A_200 = vector.shape_cast %get3A_195 : vector<16xf32> to vector<1x1x16xf32>
        tpu.vector_store %arg8[%swap3A, %swap3A_196, %swap3A_197], %swap3A_200 {add = true, strides = array<i32>} : memref<3x16x1024xf32, #tpu.memory_space<vmem>>, vector<1x1x16xf32>,
        %get3A_201 = arith.index_cast %rem3A_127 : i32 to index
        %get3A_202 = arith.index_cast %scan3A_191 : i32 to index
        %get3A_203 = arith.constant 16 : index
        %get3A_204 = tpu.vector_load %arg7[%get3A_201, %get3A_202, %get3A_203] {strides = array<i32>} : memref<3x16x1024xf32, #tpu.memory_space<vmem>>, vector<1x1x16xf32>,
        %get3A_205 = vector.shape_cast %get3A_204 : vector<1x1x16xf32> to vector<16xf32>
        %swap3A_206 = arith.index_cast %rem3A_127 : i32 to index
        %swap3A_207 = arith.index_cast %scan3A_191 : i32 to index
        %swap3A_208 = arith.constant 16 : index
        %swap3A_209 = tpu.vector_load %arg8[%swap3A_206, %swap3A_207, %swap3A_208] {strides = array<i32>} : memref<3x16x1024xf32, #tpu.memory_space<vmem>>, vector<1x1x16xf32>,
        %swap3A_210 = vector.shape_cast %swap3A_209 : vector<1x1x16xf32> to vector<16xf32>
        %swap3A_211 = vector.shape_cast %get3A_205 : vector<16xf32> to vector<1x1x16xf32>
        tpu.vector_store %arg8[%swap3A_206, %swap3A_207, %swap3A_208], %swap3A_211 {add = true, strides = array<i32>} : memref<3x16x1024xf32, #tpu.memory_space<vmem>>, vector<1x1x16xf32>,
        %get3A_212 = arith.index_cast %rem3A_127 : i32 to index
        %get3A_213 = arith.index_cast %scan3A_191 : i32 to index
        %get3A_214 = arith.constant 32 : index
        %get3A_215 = tpu.vector_load %arg7[%get3A_212, %get3A_213, %get3A_214] {strides = array<i32>} : memref<3x16x1024xf32, #tpu.memory_space<vmem>>, vector<1x1x16xf32>,
        %get3A_216 = vector.shape_cast %get3A_215 : vector<1x1x16xf32> to vector<16xf32>
        %swap3A_217 = arith.index_cast %rem3A_127 : i32 to index
        %swap3A_218 = arith.index_cast %scan3A_191 : i32 to index
        %swap3A_219 = arith.constant 32 : index
        %swap3A_220 = tpu.vector_load %arg8[%swap3A_217, %swap3A_218, %swap3A_219] {strides = array<i32>} : memref<3x16x1024xf32, #tpu.memory_space<vmem>>, vector<1x1x16xf32>,
        %swap3A_221 = vector.shape_cast %swap3A_220 : vector<1x1x16xf32> to vector<16xf32>
        %swap3A_222 = vector.shape_cast %get3A_216 : vector<16xf32> to vector<1x1x16xf32>
        tpu.vector_store %arg8[%swap3A_217, %swap3A_218, %swap3A_219], %swap3A_222 {add = true, strides = array<i32>} : memref<3x16x1024xf32, #tpu.memory_space<vmem>>, vector<1x1x16xf32>,
        %get3A_223 = arith.index_cast %rem3A_127 : i32 to index
        %get3A_224 = arith.index_cast %scan3A_191 : i32 to index
        %get3A_225 = arith.constant 48 : index
        %get3A_226 = tpu.vector_load %arg7[%get3A_223, %get3A_224, %get3A_225] {strides = array<i32>} : memref<3x16x1024xf32, #tpu.memory_space<vmem>>, vector<1x1x16xf32>,
        %get3A_227 = vector.shape_cast %get3A_226 : vector<1x1x16xf32> to vector<16xf32>
        %swap3A_228 = arith.index_cast %rem3A_127 : i32 to index
        %swap3A_229 = arith.index_cast %scan3A_191 : i32 to index
        %swap3A_230 = arith.constant 48 : index
        %swap3A_231 = tpu.vector_load %arg8[%swap3A_228, %swap3A_229, %swap3A_230] {strides = array<i32>} : memref<3x16x1024xf32, #tpu.memory_space<vmem>>, vector<1x1x16xf32>,
        %swap3A_232 = vector.shape_cast %swap3A_231 : vector<1x1x16xf32> to vector<16xf32>
        %swap3A_233 = vector.shape_cast %get3A_227 : vector<16xf32> to vector<1x1x16xf32>
        tpu.vector_store %arg8[%swap3A_228, %swap3A_229, %swap3A_230], %swap3A_233 {add = true, strides = array<i32>} : memref<3x16x1024xf32, #tpu.memory_space<vmem>>, vector<1x1x16xf32>,
        %get3A_234 = arith.index_cast %rem3A_127 : i32 to index
        %get3A_235 = arith.index_cast %scan3A_191 : i32 to index
        %get3A_236 = arith.constant 64 : index
        %get3A_237 = tpu.vector_load %arg7[%get3A_234, %get3A_235, %get3A_236] {strides = array<i32>} : memref<3x16x1024xf32, #tpu.memory_space<vmem>>, vector<1x1x16xf32>,
        %get3A_238 = vector.shape_cast %get3A_237 : vector<1x1x16xf32> to vector<16xf32>
        %swap3A_239 = arith.index_cast %rem3A_127 : i32 to index
        %swap3A_240 = arith.index_cast %scan3A_191 : i32 to index
        %swap3A_241 = arith.constant 64 : index
        %swap3A_242 = tpu.vector_load %arg8[%swap3A_239, %swap3A_240, %swap3A_241] {strides = array<i32>} : memref<3x16x1024xf32, #tpu.memory_space<vmem>>, vector<1x1x16xf32>,
        %swap3A_243 = vector.shape_cast %swap3A_242 : vector<1x1x16xf32> to vector<16xf32>
        %swap3A_244 = vector.shape_cast %get3A_238 : vector<16xf32> to vector<1x1x16xf32>
        tpu.vector_store %arg8[%swap3A_239, %swap3A_240, %swap3A_241], %swap3A_244 {add = true, strides = array<i32>} : memref<3x16x1024xf32, #tpu.memory_space<vmem>>, vector<1x1x16xf32>,
        %get3A_245 = arith.index_cast %rem3A_127 : i32 to index
        %get3A_246 = arith.index_cast %scan3A_191 : i32 to index
        %get3A_247 = arith.constant 80 : index
        %get3A_248 = tpu.vector_load %arg7[%get3A_245, %get3A_246, %get3A_247] {strides = array<i32>} : memref<3x16x1024xf32, #tpu.memory_space<vmem>>, vector<1x1x16xf32>,
        %get3A_249 = vector.shape_cast %get3A_248 : vector<1x1x16xf32> to vector<16xf32>
        %swap3A_250 = arith.index_cast %rem3A_127 : i32 to index
        %swap3A_251 = arith.index_cast %scan3A_191 : i32 to index
        %swap3A_252 = arith.constant 80 : index
        %swap3A_253 = tpu.vector_load %arg8[%swap3A_250, %swap3A_251, %swap3A_252] {strides = array<i32>} : memref<3x16x1024xf32, #tpu.memory_space<vmem>>, vector<1x1x16xf32>,
        %swap3A_254 = vector.shape_cast %swap3A_253 : vector<1x1x16xf32> to vector<16xf32>
        %swap3A_255 = vector.shape_cast %get3A_249 : vector<16xf32> to vector<1x1x16xf32>
        tpu.vector_store %arg8[%swap3A_250, %swap3A_251, %swap3A_252], %swap3A_255 {add = true, strides = array<i32>} : memref<3x16x1024xf32, #tpu.memory_space<vmem>>, vector<1x1x16xf32>,
        %get3A_256 = arith.index_cast %rem3A_127 : i32 to index
        %get3A_257 = arith.index_cast %scan3A_191 : i32 to index
        %get3A_258 = arith.constant 96 : index
        %get3A_259 = tpu.vector_load %arg7[%get3A_256, %get3A_257, %get3A_258] {strides = array<i32>} : memref<3x16x1024xf32, #tpu.memory_space<vmem>>, vector<1x1x16xf32>,
        %get3A_260 = vector.shape_cast %get3A_259 : vector<1x1x16xf32> to vector<16xf32>
        %swap3A_261 = arith.index_cast %rem3A_127 : i32 to index
        %swap3A_262 = arith.index_cast %scan3A_191 : i32 to index
        %swap3A_263 = arith.constant 96 : index
        %swap3A_264 = tpu.vector_load %arg8[%swap3A_261, %swap3A_262, %swap3A_263] {strides = array<i32>} : memref<3x16x1024xf32, #tpu.memory_space<vmem>>, vector<1x1x16xf32>,
        %swap3A_265 = vector.shape_cast %swap3A_264 : vector<1x1x16xf32> to vector<16xf32>
        %swap3A_266 = vector.shape_cast %get3A_260 : vector<16xf32> to vector<1x1x16xf32>
        tpu.vector_store %arg8[%swap3A_261, %swap3A_262, %swap3A_263], %swap3A_266 {add = true, strides = array<i32>} : memref<3x16x1024xf32, #tpu.memory_space<vmem>>, vector<1x1x16xf32>,
        %get3A_267 = arith.index_cast %rem3A_127 : i32 to index
        %get3A_268 = arith.index_cast %scan3A_191 : i32 to index
        %get3A_269 = arith.constant 112 : index
        %get3A_270 = tpu.vector_load %arg7[%get3A_267, %get3A_268, %get3A_269] {strides = array<i32>} : memref<3x16x1024xf32, #tpu.memory_space<vmem>>, vector<1x1x16xf32>,
        %get3A_271 = vector.shape_cast %get3A_270 : vector<1x1x16xf32> to vector<16xf32>
        %swap3A_272 = arith.index_cast %rem3A_127 : i32 to index
        %swap3A_273 = arith.index_cast %scan3A_191 : i32 to index
        %swap3A_274 = arith.constant 112 : index
        %swap3A_275 = tpu.vector_load %arg8[%swap3A_272, %swap3A_273, %swap3A_274] {strides = array<i32>} : memref<3x16x1024xf32, #tpu.memory_space<vmem>>, vector<1x1x16xf32>,
        %swap3A_276 = vector.shape_cast %swap3A_275 : vector<1x1x16xf32> to vector<16xf32>
        %swap3A_277 = vector.shape_cast %get3A_271 : vector<16xf32> to vector<1x1x16xf32>
        tpu.vector_store %arg8[%swap3A_272, %swap3A_273, %swap3A_274], %swap3A_277 {add = true, strides = array<i32>} : memref<3x16x1024xf32, #tpu.memory_space<vmem>>, vector<1x1x16xf32>,
        %get3A_278 = arith.index_cast %rem3A_127 : i32 to index
        %get3A_279 = arith.index_cast %scan3A_191 : i32 to index
        %get3A_280 = arith.constant 128 : index
        %get3A_281 = tpu.vector_load %arg7[%get3A_278, %get3A_279, %get3A_280] {strides = array<i32>} : memref<3x16x1024xf32, #tpu.memory_space<vmem>>, vector<1x1x16xf32>,
        %get3A_282 = vector.shape_cast %get3A_281 : vector<1x1x16xf32> to vector<16xf32>
        %swap3A_283 = arith.index_cast %rem3A_127 : i32 to index
        %swap3A_284 = arith.index_cast %scan3A_191 : i32 to index
        %swap3A_285 = arith.constant 128 : index
        %swap3A_286 = tpu.vector_load %arg8[%swap3A_283, %swap3A_284, %swap3A_285] {strides = array<i32>} : memref<3x16x1024xf32, #tpu.memory_space<vmem>>, vector<1x1x16xf32>,
        %swap3A_287 = vector.shape_cast %swap3A_286 : vector<1x1x16xf32> to vector<16xf32>
        %swap3A_288 = vector.shape_cast %get3A_282 : vector<16xf32> to vector<1x1x16xf32>
        tpu.vector_store %arg8[%swap3A_283, %swap3A_284, %swap3A_285], %swap3A_288 {add = true, strides = array<i32>} : memref<3x16x1024xf32, #tpu.memory_space<vmem>>, vector<1x1x16xf32>,
        %get3A_289 = arith.index_cast %rem3A_127 : i32 to index
        %get3A_290 = arith.index_cast %scan3A_191 : i32 to index
        %get3A_291 = arith.constant 144 : index
        %get3A_292 = tpu.vector_load %arg7[%get3A_289, %get3A_290, %get3A_291] {strides = array<i32>} : memref<3x16x1024xf32, #tpu.memory_space<vmem>>, vector<1x1x16xf32>,
        %get3A_293 = vector.shape_cast %get3A_292 : vector<1x1x16xf32> to vector<16xf32>
        %swap3A_294 = arith.index_cast %rem3A_127 : i32 to index
        %swap3A_295 = arith.index_cast %scan3A_191 : i32 to index
        %swap3A_296 = arith.constant 144 : index
        %swap3A_297 = tpu.vector_load %arg8[%swap3A_294, %swap3A_295, %swap3A_296] {strides = array<i32>} : memref<3x16x1024xf32, #tpu.memory_space<vmem>>, vector<1x1x16xf32>,
        %swap3A_298 = vector.shape_cast %swap3A_297 : vector<1x1x16xf32> to vector<16xf32>
        %swap3A_299 = vector.shape_cast %get3A_293 : vector<16xf32> to vector<1x1x16xf32>
        tpu.vector_store %arg8[%swap3A_294, %swap3A_295, %swap3A_296], %swap3A_299 {add = true, strides = array<i32>} : memref<3x16x1024xf32, #tpu.memory_space<vmem>>, vector<1x1x16xf32>,
        %get3A_300 = arith.index_cast %rem3A_127 : i32 to index
        %get3A_301 = arith.index_cast %scan3A_191 : i32 to index
        %get3A_302 = arith.constant 160 : index
        %get3A_303 = tpu.vector_load %arg7[%get3A_300, %get3A_301, %get3A_302] {strides = array<i32>} : memref<3x16x1024xf32, #tpu.memory_space<vmem>>, vector<1x1x16xf32>,
        %get3A_304 = vector.shape_cast %get3A_303 : vector<1x1x16xf32> to vector<16xf32>
        %swap3A_305 = arith.index_cast %rem3A_127 : i32 to index
        %swap3A_306 = arith.index_cast %scan3A_191 : i32 to index
        %swap3A_307 = arith.constant 160 : index
        %swap3A_308 = tpu.vector_load %arg8[%swap3A_305, %swap3A_306, %swap3A_307] {strides = array<i32>} : memref<3x16x1024xf32, #tpu.memory_space<vmem>>, vector<1x1x16xf32>,
        %swap3A_309 = vector.shape_cast %swap3A_308 : vector<1x1x16xf32> to vector<16xf32>
        %swap3A_310 = vector.shape_cast %get3A_304 : vector<16xf32> to vector<1x1x16xf32>
        tpu.vector_store %arg8[%swap3A_305, %swap3A_306, %swap3A_307], %swap3A_310 {add = true, strides = array<i32>} : memref<3x16x1024xf32, #tpu.memory_space<vmem>>, vector<1x1x16xf32>,
        %get3A_311 = arith.index_cast %rem3A_127 : i32 to index
        %get3A_312 = arith.index_cast %scan3A_191 : i32 to index
        %get3A_313 = arith.constant 176 : index
        %get3A_314 = tpu.vector_load %arg7[%get3A_311, %get3A_312, %get3A_313] {strides = array<i32>} : memref<3x16x1024xf32, #tpu.memory_space<vmem>>, vector<1x1x16xf32>,
        %get3A_315 = vector.shape_cast %get3A_314 : vector<1x1x16xf32> to vector<16xf32>
        %swap3A_316 = arith.index_cast %rem3A_127 : i32 to index
        %swap3A_317 = arith.index_cast %scan3A_191 : i32 to index
        %swap3A_318 = arith.constant 176 : index
        %swap3A_319 = tpu.vector_load %arg8[%swap3A_316, %swap3A_317, %swap3A_318] {strides = array<i32>} : memref<3x16x1024xf32, #tpu.memory_space<vmem>>, vector<1x1x16xf32>,
        %swap3A_320 = vector.shape_cast %swap3A_319 : vector<1x1x16xf32> to vector<16xf32>
        %swap3A_321 = vector.shape_cast %get3A_315 : vector<16xf32> to vector<1x1x16xf32>
        tpu.vector_store %arg8[%swap3A_316, %swap3A_317, %swap3A_318], %swap3A_321 {add = true, strides = array<i32>} : memref<3x16x1024xf32, #tpu.memory_space<vmem>>, vector<1x1x16xf32>,
        %get3A_322 = arith.index_cast %rem3A_127 : i32 to index
        %get3A_323 = arith.index_cast %scan3A_191 : i32 to index
        %get3A_324 = arith.constant 192 : index
        %get3A_325 = tpu.vector_load %arg7[%get3A_322, %get3A_323, %get3A_324] {strides = array<i32>} : memref<3x16x1024xf32, #tpu.memory_space<vmem>>, vector<1x1x16xf32>,
        %get3A_326 = vector.shape_cast %get3A_325 : vector<1x1x16xf32> to vector<16xf32>
        %swap3A_327 = arith.index_cast %rem3A_127 : i32 to index
        %swap3A_328 = arith.index_cast %scan3A_191 : i32 to index
        %swap3A_329 = arith.constant 192 : index
        %swap3A_330 = tpu.vector_load %arg8[%swap3A_327, %swap3A_328, %swap3A_329] {strides = array<i32>} : memref<3x16x1024xf32, #tpu.memory_space<vmem>>, vector<1x1x16xf32>,
        %swap3A_331 = vector.shape_cast %swap3A_330 : vector<1x1x16xf32> to vector<16xf32>
        %swap3A_332 = vector.shape_cast %get3A_326 : vector<16xf32> to vector<1x1x16xf32>
        tpu.vector_store %arg8[%swap3A_327, %swap3A_328, %swap3A_329], %swap3A_332 {add = true, strides = array<i32>} : memref<3x16x1024xf32, #tpu.memory_space<vmem>>, vector<1x1x16xf32>,
        %get3A_333 = arith.index_cast %rem3A_127 : i32 to index
        %get3A_334 = arith.index_cast %scan3A_191 : i32 to index
        %get3A_335 = arith.constant 208 : index
        %get3A_336 = tpu.vector_load %arg7[%get3A_333, %get3A_334, %get3A_335] {strides = array<i32>} : memref<3x16x1024xf32, #tpu.memory_space<vmem>>, vector<1x1x16xf32>,
        %get3A_337 = vector.shape_cast %get3A_336 : vector<1x1x16xf32> to vector<16xf32>
        %swap3A_338 = arith.index_cast %rem3A_127 : i32 to index
        %swap3A_339 = arith.index_cast %scan3A_191 : i32 to index
        %swap3A_340 = arith.constant 208 : index
        %swap3A_341 = tpu.vector_load %arg8[%swap3A_338, %swap3A_339, %swap3A_340] {strides = array<i32>} : memref<3x16x1024xf32, #tpu.memory_space<vmem>>, vector<1x1x16xf32>,
        %swap3A_342 = vector.shape_cast %swap3A_341 : vector<1x1x16xf32> to vector<16xf32>
        %swap3A_343 = vector.shape_cast %get3A_337 : vector<16xf32> to vector<1x1x16xf32>
        tpu.vector_store %arg8[%swap3A_338, %swap3A_339, %swap3A_340], %swap3A_343 {add = true, strides = array<i32>} : memref<3x16x1024xf32, #tpu.memory_space<vmem>>, vector<1x1x16xf32>,
        %get3A_344 = arith.index_cast %rem3A_127 : i32 to index
        %get3A_345 = arith.index_cast %scan3A_191 : i32 to index
        %get3A_346 = arith.constant 224 : index
        %get3A_347 = tpu.vector_load %arg7[%get3A_344, %get3A_345, %get3A_346] {strides = array<i32>} : memref<3x16x1024xf32, #tpu.memory_space<vmem>>, vector<1x1x16xf32>,
        %get3A_348 = vector.shape_cast %get3A_347 : vector<1x1x16xf32> to vector<16xf32>
        %swap3A_349 = arith.index_cast %rem3A_127 : i32 to index
        %swap3A_350 = arith.index_cast %scan3A_191 : i32 to index
        %swap3A_351 = arith.constant 224 : index
        %swap3A_352 = tpu.vector_load %arg8[%swap3A_349, %swap3A_350, %swap3A_351] {strides = array<i32>} : memref<3x16x1024xf32, #tpu.memory_space<vmem>>, vector<1x1x16xf32>,
        %swap3A_353 = vector.shape_cast %swap3A_352 : vector<1x1x16xf32> to vector<16xf32>
        %swap3A_354 = vector.shape_cast %get3A_348 : vector<16xf32> to vector<1x1x16xf32>
        tpu.vector_store %arg8[%swap3A_349, %swap3A_350, %swap3A_351], %swap3A_354 {add = true, strides = array<i32>} : memref<3x16x1024xf32, #tpu.memory_space<vmem>>, vector<1x1x16xf32>,
        %get3A_355 = arith.index_cast %rem3A_127 : i32 to index
        %get3A_356 = arith.index_cast %scan3A_191 : i32 to index
        %get3A_357 = arith.constant 240 : index
        %get3A_358 = tpu.vector_load %arg7[%get3A_355, %get3A_356, %get3A_357] {strides = array<i32>} : memref<3x16x1024xf32, #tpu.memory_space<vmem>>, vector<1x1x16xf32>,
        %get3A_359 = vector.shape_cast %get3A_358 : vector<1x1x16xf32> to vector<16xf32>
        %swap3A_360 = arith.index_cast %rem3A_127 : i32 to index
        %swap3A_361 = arith.index_cast %scan3A_191 : i32 to index
        %swap3A_362 = arith.constant 240 : index
        %swap3A_363 = tpu.vector_load %arg8[%swap3A_360, %swap3A_361, %swap3A_362] {strides = array<i32>} : memref<3x16x1024xf32, #tpu.memory_space<vmem>>, vector<1x1x16xf32>,
        %swap3A_364 = vector.shape_cast %swap3A_363 : vector<1x1x16xf32> to vector<16xf32>
        %swap3A_365 = vector.shape_cast %get3A_359 : vector<16xf32> to vector<1x1x16xf32>
        tpu.vector_store %arg8[%swap3A_360, %swap3A_361, %swap3A_362], %swap3A_365 {add = true, strides = array<i32>} : memref<3x16x1024xf32, #tpu.memory_space<vmem>>, vector<1x1x16xf32>,
        %get3A_366 = arith.index_cast %rem3A_127 : i32 to index
        %get3A_367 = arith.index_cast %scan3A_191 : i32 to index
        %get3A_368 = arith.constant 256 : index
        %get3A_369 = tpu.vector_load %arg7[%get3A_366, %get3A_367, %get3A_368] {strides = array<i32>} : memref<3x16x1024xf32, #tpu.memory_space<vmem>>, vector<1x1x16xf32>,
        %get3A_370 = vector.shape_cast %get3A_369 : vector<1x1x16xf32> to vector<16xf32>
        %swap3A_371 = arith.index_cast %rem3A_127 : i32 to index
        %swap3A_372 = arith.index_cast %scan3A_191 : i32 to index
        %swap3A_373 = arith.constant 256 : index
        %swap3A_374 = tpu.vector_load %arg8[%swap3A_371, %swap3A_372, %swap3A_373] {strides = array<i32>} : memref<3x16x1024xf32, #tpu.memory_space<vmem>>, vector<1x1x16xf32>,
        %swap3A_375 = vector.shape_cast %swap3A_374 : vector<1x1x16xf32> to vector<16xf32>
        %swap3A_376 = vector.shape_cast %get3A_370 : vector<16xf32> to vector<1x1x16xf32>
        tpu.vector_store %arg8[%swap3A_371, %swap3A_372, %swap3A_373], %swap3A_376 {add = true, strides = array<i32>} : memref<3x16x1024xf32, #tpu.memory_space<vmem>>, vector<1x1x16xf32>,
        %get3A_377 = arith.index_cast %rem3A_127 : i32 to index
        %get3A_378 = arith.index_cast %scan3A_191 : i32 to index
        %get3A_379 = arith.constant 272 : index
        %get3A_380 = tpu.vector_load %arg7[%get3A_377, %get3A_378, %get3A_379] {strides = array<i32>} : memref<3x16x1024xf32, #tpu.memory_space<vmem>>, vector<1x1x16xf32>,
        %get3A_381 = vector.shape_cast %get3A_380 : vector<1x1x16xf32> to vector<16xf32>
        %swap3A_382 = arith.index_cast %rem3A_127 : i32 to index
        %swap3A_383 = arith.index_cast %scan3A_191 : i32 to index
        %swap3A_384 = arith.constant 272 : index
        %swap3A_385 = tpu.vector_load %arg8[%swap3A_382, %swap3A_383, %swap3A_384] {strides = array<i32>} : memref<3x16x1024xf32, #tpu.memory_space<vmem>>, vector<1x1x16xf32>,
        %swap3A_386 = vector.shape_cast %swap3A_385 : vector<1x1x16xf32> to vector<16xf32>
        %swap3A_387 = vector.shape_cast %get3A_381 : vector<16xf32> to vector<1x1x16xf32>
        tpu.vector_store %arg8[%swap3A_382, %swap3A_383, %swap3A_384], %swap3A_387 {add = true, strides = array<i32>} : memref<3x16x1024xf32, #tpu.memory_space<vmem>>, vector<1x1x16xf32>,
        %get3A_388 = arith.index_cast %rem3A_127 : i32 to index
        %get3A_389 = arith.index_cast %scan3A_191 : i32 to index
        %get3A_390 = arith.constant 288 : index
        %get3A_391 = tpu.vector_load %arg7[%get3A_388, %get3A_389, %get3A_390] {strides = array<i32>} : memref<3x16x1024xf32, #tpu.memory_space<vmem>>, vector<1x1x16xf32>,
        %get3A_392 = vector.shape_cast %get3A_391 : vector<1x1x16xf32> to vector<16xf32>
        %swap3A_393 = arith.index_cast %rem3A_127 : i32 to index
        %swap3A_394 = arith.index_cast %scan3A_191 : i32 to index
        %swap3A_395 = arith.constant 288 : index
        %swap3A_396 = tpu.vector_load %arg8[%swap3A_393, %swap3A_394, %swap3A_395] {strides = array<i32>} : memref<3x16x1024xf32, #tpu.memory_space<vmem>>, vector<1x1x16xf32>,
        %swap3A_397 = vector.shape_cast %swap3A_396 : vector<1x1x16xf32> to vector<16xf32>
        %swap3A_398 = vector.shape_cast %get3A_392 : vector<16xf32> to vector<1x1x16xf32>
        tpu.vector_store %arg8[%swap3A_393, %swap3A_394, %swap3A_395], %swap3A_398 {add = true, strides = array<i32>} : memref<3x16x1024xf32, #tpu.memory_space<vmem>>, vector<1x1x16xf32>,
        %get3A_399 = arith.index_cast %rem3A_127 : i32 to index
        %get3A_400 = arith.index_cast %scan3A_191 : i32 to index
        %get3A_401 = arith.constant 304 : index
        %get3A_402 = tpu.vector_load %arg7[%get3A_399, %get3A_400, %get3A_401] {strides = array<i32>} : memref<3x16x1024xf32, #tpu.memory_space<vmem>>, vector<1x1x16xf32>,
        %get3A_403 = vector.shape_cast %get3A_402 : vector<1x1x16xf32> to vector<16xf32>
        %swap3A_404 = arith.index_cast %rem3A_127 : i32 to index
        %swap3A_405 = arith.index_cast %scan3A_191 : i32 to index
        %swap3A_406 = arith.constant 304 : index
        %swap3A_407 = tpu.vector_load %arg8[%swap3A_404, %swap3A_405, %swap3A_406] {strides = array<i32>} : memref<3x16x1024xf32, #tpu.memory_space<vmem>>, vector<1x1x16xf32>,
        %swap3A_408 = vector.shape_cast %swap3A_407 : vector<1x1x16xf32> to vector<16xf32>
        %swap3A_409 = vector.shape_cast %get3A_403 : vector<16xf32> to vector<1x1x16xf32>
        tpu.vector_store %arg8[%swap3A_404, %swap3A_405, %swap3A_406], %swap3A_409 {add = true, strides = array<i32>} : memref<3x16x1024xf32, #tpu.memory_space<vmem>>, vector<1x1x16xf32>,
        %get3A_410 = arith.index_cast %rem3A_127 : i32 to index
        %get3A_411 = arith.index_cast %scan3A_191 : i32 to index
        %get3A_412 = arith.constant 320 : index
        %get3A_413 = tpu.vector_load %arg7[%get3A_410, %get3A_411, %get3A_412] {strides = array<i32>} : memref<3x16x1024xf32, #tpu.memory_space<vmem>>, vector<1x1x16xf32>,
        %get3A_414 = vector.shape_cast %get3A_413 : vector<1x1x16xf32> to vector<16xf32>
        %swap3A_415 = arith.index_cast %rem3A_127 : i32 to index
        %swap3A_416 = arith.index_cast %scan3A_191 : i32 to index
        %swap3A_417 = arith.constant 320 : index
        %swap3A_418 = tpu.vector_load %arg8[%swap3A_415, %swap3A_416, %swap3A_417] {strides = array<i32>} : memref<3x16x1024xf32, #tpu.memory_space<vmem>>, vector<1x1x16xf32>,
        %swap3A_419 = vector.shape_cast %swap3A_418 : vector<1x1x16xf32> to vector<16xf32>
        %swap3A_420 = vector.shape_cast %get3A_414 : vector<16xf32> to vector<1x1x16xf32>
        tpu.vector_store %arg8[%swap3A_415, %swap3A_416, %swap3A_417], %swap3A_420 {add = true, strides = array<i32>} : memref<3x16x1024xf32, #tpu.memory_space<vmem>>, vector<1x1x16xf32>,
        %get3A_421 = arith.index_cast %rem3A_127 : i32 to index
        %get3A_422 = arith.index_cast %scan3A_191 : i32 to index
        %get3A_423 = arith.constant 336 : index
        %get3A_424 = tpu.vector_load %arg7[%get3A_421, %get3A_422, %get3A_423] {strides = array<i32>} : memref<3x16x1024xf32, #tpu.memory_space<vmem>>, vector<1x1x16xf32>,
        %get3A_425 = vector.shape_cast %get3A_424 : vector<1x1x16xf32> to vector<16xf32>
        %swap3A_426 = arith.index_cast %rem3A_127 : i32 to index
        %swap3A_427 = arith.index_cast %scan3A_191 : i32 to index
        %swap3A_428 = arith.constant 336 : index
        %swap3A_429 = tpu.vector_load %arg8[%swap3A_426, %swap3A_427, %swap3A_428] {strides = array<i32>} : memref<3x16x1024xf32, #tpu.memory_space<vmem>>, vector<1x1x16xf32>,
        %swap3A_430 = vector.shape_cast %swap3A_429 : vector<1x1x16xf32> to vector<16xf32>
        %swap3A_431 = vector.shape_cast %get3A_425 : vector<16xf32> to vector<1x1x16xf32>
        tpu.vector_store %arg8[%swap3A_426, %swap3A_427, %swap3A_428], %swap3A_431 {add = true, strides = array<i32>} : memref<3x16x1024xf32, #tpu.memory_space<vmem>>, vector<1x1x16xf32>,
        %get3A_432 = arith.index_cast %rem3A_127 : i32 to index
        %get3A_433 = arith.index_cast %scan3A_191 : i32 to index
        %get3A_434 = arith.constant 352 : index
        %get3A_435 = tpu.vector_load %arg7[%get3A_432, %get3A_433, %get3A_434] {strides = array<i32>} : memref<3x16x1024xf32, #tpu.memory_space<vmem>>, vector<1x1x16xf32>,
        %get3A_436 = vector.shape_cast %get3A_435 : vector<1x1x16xf32> to vector<16xf32>
        %swap3A_437 = arith.index_cast %rem3A_127 : i32 to index
        %swap3A_438 = arith.index_cast %scan3A_191 : i32 to index
        %swap3A_439 = arith.constant 352 : index
        %swap3A_440 = tpu.vector_load %arg8[%swap3A_437, %swap3A_438, %swap3A_439] {strides = array<i32>} : memref<3x16x1024xf32, #tpu.memory_space<vmem>>, vector<1x1x16xf32>,
        %swap3A_441 = vector.shape_cast %swap3A_440 : vector<1x1x16xf32> to vector<16xf32>
        %swap3A_442 = vector.shape_cast %get3A_436 : vector<16xf32> to vector<1x1x16xf32>
        tpu.vector_store %arg8[%swap3A_437, %swap3A_438, %swap3A_439], %swap3A_442 {add = true, strides = array<i32>} : memref<3x16x1024xf32, #tpu.memory_space<vmem>>, vector<1x1x16xf32>,
        %get3A_443 = arith.index_cast %rem3A_127 : i32 to index
        %get3A_444 = arith.index_cast %scan3A_191 : i32 to index
        %get3A_445 = arith.constant 368 : index
        %get3A_446 = tpu.vector_load %arg7[%get3A_443, %get3A_444, %get3A_445] {strides = array<i32>} : memref<3x16x1024xf32, #tpu.memory_space<vmem>>, vector<1x1x16xf32>,
        %get3A_447 = vector.shape_cast %get3A_446 : vector<1x1x16xf32> to vector<16xf32>
        %swap3A_448 = arith.index_cast %rem3A_127 : i32 to index
        %swap3A_449 = arith.index_cast %scan3A_191 : i32 to index
        %swap3A_450 = arith.constant 368 : index
        %swap3A_451 = tpu.vector_load %arg8[%swap3A_448, %swap3A_449, %swap3A_450] {strides = array<i32>} : memref<3x16x1024xf32, #tpu.memory_space<vmem>>, vector<1x1x16xf32>,
        %swap3A_452 = vector.shape_cast %swap3A_451 : vector<1x1x16xf32> to vector<16xf32>
        %swap3A_453 = vector.shape_cast %get3A_447 : vector<16xf32> to vector<1x1x16xf32>
        tpu.vector_store %arg8[%swap3A_448, %swap3A_449, %swap3A_450], %swap3A_453 {add = true, strides = array<i32>} : memref<3x16x1024xf32, #tpu.memory_space<vmem>>, vector<1x1x16xf32>,
        %get3A_454 = arith.index_cast %rem3A_127 : i32 to index
        %get3A_455 = arith.index_cast %scan3A_191 : i32 to index
        %get3A_456 = arith.constant 384 : index
        %get3A_457 = tpu.vector_load %arg7[%get3A_454, %get3A_455, %get3A_456] {strides = array<i32>} : memref<3x16x1024xf32, #tpu.memory_space<vmem>>, vector<1x1x16xf32>,
        %get3A_458 = vector.shape_cast %get3A_457 : vector<1x1x16xf32> to vector<16xf32>
        %swap3A_459 = arith.index_cast %rem3A_127 : i32 to index
        %swap3A_460 = arith.index_cast %scan3A_191 : i32 to index
        %swap3A_461 = arith.constant 384 : index
        %swap3A_462 = tpu.vector_load %arg8[%swap3A_459, %swap3A_460, %swap3A_461] {strides = array<i32>} : memref<3x16x1024xf32, #tpu.memory_space<vmem>>, vector<1x1x16xf32>,
        %swap3A_463 = vector.shape_cast %swap3A_462 : vector<1x1x16xf32> to vector<16xf32>
        %swap3A_464 = vector.shape_cast %get3A_458 : vector<16xf32> to vector<1x1x16xf32>
        tpu.vector_store %arg8[%swap3A_459, %swap3A_460, %swap3A_461], %swap3A_464 {add = true, strides = array<i32>} : memref<3x16x1024xf32, #tpu.memory_space<vmem>>, vector<1x1x16xf32>,
        %get3A_465 = arith.index_cast %rem3A_127 : i32 to index
        %get3A_466 = arith.index_cast %scan3A_191 : i32 to index
        %get3A_467 = arith.constant 400 : index
        %get3A_468 = tpu.vector_load %arg7[%get3A_465, %get3A_466, %get3A_467] {strides = array<i32>} : memref<3x16x1024xf32, #tpu.memory_space<vmem>>, vector<1x1x16xf32>,
        %get3A_469 = vector.shape_cast %get3A_468 : vector<1x1x16xf32> to vector<16xf32>
        %swap3A_470 = arith.index_cast %rem3A_127 : i32 to index
        %swap3A_471 = arith.index_cast %scan3A_191 : i32 to index
        %swap3A_472 = arith.constant 400 : index
        %swap3A_473 = tpu.vector_load %arg8[%swap3A_470, %swap3A_471, %swap3A_472] {strides = array<i32>} : memref<3x16x1024xf32, #tpu.memory_space<vmem>>, vector<1x1x16xf32>,
        %swap3A_474 = vector.shape_cast %swap3A_473 : vector<1x1x16xf32> to vector<16xf32>
        %swap3A_475 = vector.shape_cast %get3A_469 : vector<16xf32> to vector<1x1x16xf32>
        tpu.vector_store %arg8[%swap3A_470, %swap3A_471, %swap3A_472], %swap3A_475 {add = true, strides = array<i32>} : memref<3x16x1024xf32, #tpu.memory_space<vmem>>, vector<1x1x16xf32>,
        %get3A_476 = arith.index_cast %rem3A_127 : i32 to index
        %get3A_477 = arith.index_cast %scan3A_191 : i32 to index
        %get3A_478 = arith.constant 416 : index
        %get3A_479 = tpu.vector_load %arg7[%get3A_476, %get3A_477, %get3A_478] {strides = array<i32>} : memref<3x16x1024xf32, #tpu.memory_space<vmem>>, vector<1x1x16xf32>,
        %get3A_480 = vector.shape_cast %get3A_479 : vector<1x1x16xf32> to vector<16xf32>
        %swap3A_481 = arith.index_cast %rem3A_127 : i32 to index
        %swap3A_482 = arith.index_cast %scan3A_191 : i32 to index
        %swap3A_483 = arith.constant 416 : index
        %swap3A_484 = tpu.vector_load %arg8[%swap3A_481, %swap3A_482, %swap3A_483] {strides = array<i32>} : memref<3x16x1024xf32, #tpu.memory_space<vmem>>, vector<1x1x16xf32>,
        %swap3A_485 = vector.shape_cast %swap3A_484 : vector<1x1x16xf32> to vector<16xf32>
        %swap3A_486 = vector.shape_cast %get3A_480 : vector<16xf32> to vector<1x1x16xf32>
        tpu.vector_store %arg8[%swap3A_481, %swap3A_482, %swap3A_483], %swap3A_486 {add = true, strides = array<i32>} : memref<3x16x1024xf32, #tpu.memory_space<vmem>>, vector<1x1x16xf32>,
        %get3A_487 = arith.index_cast %rem3A_127 : i32 to index
        %get3A_488 = arith.index_cast %scan3A_191 : i32 to index
        %get3A_489 = arith.constant 432 : index
        %get3A_490 = tpu.vector_load %arg7[%get3A_487, %get3A_488, %get3A_489] {strides = array<i32>} : memref<3x16x1024xf32, #tpu.memory_space<vmem>>, vector<1x1x16xf32>,
        %get3A_491 = vector.shape_cast %get3A_490 : vector<1x1x16xf32> to vector<16xf32>
        %swap3A_492 = arith.index_cast %rem3A_127 : i32 to index
        %swap3A_493 = arith.index_cast %scan3A_191 : i32 to index
        %swap3A_494 = arith.constant 432 : index
        %swap3A_495 = tpu.vector_load %arg8[%swap3A_492, %swap3A_493, %swap3A_494] {strides = array<i32>} : memref<3x16x1024xf32, #tpu.memory_space<vmem>>, vector<1x1x16xf32>,
        %swap3A_496 = vector.shape_cast %swap3A_495 : vector<1x1x16xf32> to vector<16xf32>
        %swap3A_497 = vector.shape_cast %get3A_491 : vector<16xf32> to vector<1x1x16xf32>
        tpu.vector_store %arg8[%swap3A_492, %swap3A_493, %swap3A_494], %swap3A_497 {add = true, strides = array<i32>} : memref<3x16x1024xf32, #tpu.memory_space<vmem>>, vector<1x1x16xf32>,
        %get3A_498 = arith.index_cast %rem3A_127 : i32 to index
        %get3A_499 = arith.index_cast %scan3A_191 : i32 to index
        %get3A_500 = arith.constant 448 : index
        %get3A_501 = tpu.vector_load %arg7[%get3A_498, %get3A_499, %get3A_500] {strides = array<i32>} : memref<3x16x1024xf32, #tpu.memory_space<vmem>>, vector<1x1x16xf32>,
        %get3A_502 = vector.shape_cast %get3A_501 : vector<1x1x16xf32> to vector<16xf32>
        %swap3A_503 = arith.index_cast %rem3A_127 : i32 to index
        %swap3A_504 = arith.index_cast %scan3A_191 : i32 to index
        %swap3A_505 = arith.constant 448 : index
        %swap3A_506 = tpu.vector_load %arg8[%swap3A_503, %swap3A_504, %swap3A_505] {strides = array<i32>} : memref<3x16x1024xf32, #tpu.memory_space<vmem>>, vector<1x1x16xf32>,
        %swap3A_507 = vector.shape_cast %swap3A_506 : vector<1x1x16xf32> to vector<16xf32>
        %swap3A_508 = vector.shape_cast %get3A_502 : vector<16xf32> to vector<1x1x16xf32>
        tpu.vector_store %arg8[%swap3A_503, %swap3A_504, %swap3A_505], %swap3A_508 {add = true, strides = array<i32>} : memref<3x16x1024xf32, #tpu.memory_space<vmem>>, vector<1x1x16xf32>,
        %get3A_509 = arith.index_cast %rem3A_127 : i32 to index
        %get3A_510 = arith.index_cast %scan3A_191 : i32 to index
        %get3A_511 = arith.constant 464 : index
        %get3A_512 = tpu.vector_load %arg7[%get3A_509, %get3A_510, %get3A_511] {strides = array<i32>} : memref<3x16x1024xf32, #tpu.memory_space<vmem>>, vector<1x1x16xf32>,
        %get3A_513 = vector.shape_cast %get3A_512 : vector<1x1x16xf32> to vector<16xf32>
        %swap3A_514 = arith.index_cast %rem3A_127 : i32 to index
        %swap3A_515 = arith.index_cast %scan3A_191 : i32 to index
        %swap3A_516 = arith.constant 464 : index
        %swap3A_517 = tpu.vector_load %arg8[%swap3A_514, %swap3A_515, %swap3A_516] {strides = array<i32>} : memref<3x16x1024xf32, #tpu.memory_space<vmem>>, vector<1x1x16xf32>,
        %swap3A_518 = vector.shape_cast %swap3A_517 : vector<1x1x16xf32> to vector<16xf32>
        %swap3A_519 = vector.shape_cast %get3A_513 : vector<16xf32> to vector<1x1x16xf32>
        tpu.vector_store %arg8[%swap3A_514, %swap3A_515, %swap3A_516], %swap3A_519 {add = true, strides = array<i32>} : memref<3x16x1024xf32, #tpu.memory_space<vmem>>, vector<1x1x16xf32>,
        %get3A_520 = arith.index_cast %rem3A_127 : i32 to index
        %get3A_521 = arith.index_cast %scan3A_191 : i32 to index
        %get3A_522 = arith.constant 480 : index
        %get3A_523 = tpu.vector_load %arg7[%get3A_520, %get3A_521, %get3A_522] {strides = array<i32>} : memref<3x16x1024xf32, #tpu.memory_space<vmem>>, vector<1x1x16xf32>,
        %get3A_524 = vector.shape_cast %get3A_523 : vector<1x1x16xf32> to vector<16xf32>
        %swap3A_525 = arith.index_cast %rem3A_127 : i32 to index
        %swap3A_526 = arith.index_cast %scan3A_191 : i32 to index
        %swap3A_527 = arith.constant 480 : index
        %swap3A_528 = tpu.vector_load %arg8[%swap3A_525, %swap3A_526, %swap3A_527] {strides = array<i32>} : memref<3x16x1024xf32, #tpu.memory_space<vmem>>, vector<1x1x16xf32>,
        %swap3A_529 = vector.shape_cast %swap3A_528 : vector<1x1x16xf32> to vector<16xf32>
        %swap3A_530 = vector.shape_cast %get3A_524 : vector<16xf32> to vector<1x1x16xf32>
        tpu.vector_store %arg8[%swap3A_525, %swap3A_526, %swap3A_527], %swap3A_530 {add = true, strides = array<i32>} : memref<3x16x1024xf32, #tpu.memory_space<vmem>>, vector<1x1x16xf32>,
        %get3A_531 = arith.index_cast %rem3A_127 : i32 to index
        %get3A_532 = arith.index_cast %scan3A_191 : i32 to index
        %get3A_533 = arith.constant 496 : index
        %get3A_534 = tpu.vector_load %arg7[%get3A_531, %get3A_532, %get3A_533] {strides = array<i32>} : memref<3x16x1024xf32, #tpu.memory_space<vmem>>, vector<1x1x16xf32>,
        %get3A_535 = vector.shape_cast %get3A_534 : vector<1x1x16xf32> to vector<16xf32>
        %swap3A_536 = arith.index_cast %rem3A_127 : i32 to index
        %swap3A_537 = arith.index_cast %scan3A_191 : i32 to index
        %swap3A_538 = arith.constant 496 : index
        %swap3A_539 = tpu.vector_load %arg8[%swap3A_536, %swap3A_537, %swap3A_538] {strides = array<i32>} : memref<3x16x1024xf32, #tpu.memory_space<vmem>>, vector<1x1x16xf32>,
        %swap3A_540 = vector.shape_cast %swap3A_539 : vector<1x1x16xf32> to vector<16xf32>
        %swap3A_541 = vector.shape_cast %get3A_535 : vector<16xf32> to vector<1x1x16xf32>
        tpu.vector_store %arg8[%swap3A_536, %swap3A_537, %swap3A_538], %swap3A_541 {add = true, strides = array<i32>} : memref<3x16x1024xf32, #tpu.memory_space<vmem>>, vector<1x1x16xf32>,
        %get3A_542 = arith.index_cast %rem3A_127 : i32 to index
        %get3A_543 = arith.index_cast %scan3A_191 : i32 to index
        %get3A_544 = arith.constant 512 : index
        %get3A_545 = tpu.vector_load %arg7[%get3A_542, %get3A_543, %get3A_544] {strides = array<i32>} : memref<3x16x1024xf32, #tpu.memory_space<vmem>>, vector<1x1x16xf32>,
        %get3A_546 = vector.shape_cast %get3A_545 : vector<1x1x16xf32> to vector<16xf32>
        %swap3A_547 = arith.index_cast %rem3A_127 : i32 to index
        %swap3A_548 = arith.index_cast %scan3A_191 : i32 to index
        %swap3A_549 = arith.constant 512 : index
        %swap3A_550 = tpu.vector_load %arg8[%swap3A_547, %swap3A_548, %swap3A_549] {strides = array<i32>} : memref<3x16x1024xf32, #tpu.memory_space<vmem>>, vector<1x1x16xf32>,
        %swap3A_551 = vector.shape_cast %swap3A_550 : vector<1x1x16xf32> to vector<16xf32>
        %swap3A_552 = vector.shape_cast %get3A_546 : vector<16xf32> to vector<1x1x16xf32>
        tpu.vector_store %arg8[%swap3A_547, %swap3A_548, %swap3A_549], %swap3A_552 {add = true, strides = array<i32>} : memref<3x16x1024xf32, #tpu.memory_space<vmem>>, vector<1x1x16xf32>,
        %get3A_553 = arith.index_cast %rem3A_127 : i32 to index
        %get3A_554 = arith.index_cast %scan3A_191 : i32 to index
        %get3A_555 = arith.constant 528 : index
        %get3A_556 = tpu.vector_load %arg7[%get3A_553, %get3A_554, %get3A_555] {strides = array<i32>} : memref<3x16x1024xf32, #tpu.memory_space<vmem>>, vector<1x1x16xf32>,
        %get3A_557 = vector.shape_cast %get3A_556 : vector<1x1x16xf32> to vector<16xf32>
        %swap3A_558 = arith.index_cast %rem3A_127 : i32 to index
        %swap3A_559 = arith.index_cast %scan3A_191 : i32 to index
        %swap3A_560 = arith.constant 528 : index
        %swap3A_561 = tpu.vector_load %arg8[%swap3A_558, %swap3A_559, %swap3A_560] {strides = array<i32>} : memref<3x16x1024xf32, #tpu.memory_space<vmem>>, vector<1x1x16xf32>,
        %swap3A_562 = vector.shape_cast %swap3A_561 : vector<1x1x16xf32> to vector<16xf32>
        %swap3A_563 = vector.shape_cast %get3A_557 : vector<16xf32> to vector<1x1x16xf32>
        tpu.vector_store %arg8[%swap3A_558, %swap3A_559, %swap3A_560], %swap3A_563 {add = true, strides = array<i32>} : memref<3x16x1024xf32, #tpu.memory_space<vmem>>, vector<1x1x16xf32>,
        %get3A_564 = arith.index_cast %rem3A_127 : i32 to index
        %get3A_565 = arith.index_cast %scan3A_191 : i32 to index
        %get3A_566 = arith.constant 544 : index
        %get3A_567 = tpu.vector_load %arg7[%get3A_564, %get3A_565, %get3A_566] {strides = array<i32>} : memref<3x16x1024xf32, #tpu.memory_space<vmem>>, vector<1x1x16xf32>,
        %get3A_568 = vector.shape_cast %get3A_567 : vector<1x1x16xf32> to vector<16xf32>
        %swap3A_569 = arith.index_cast %rem3A_127 : i32 to index
        %swap3A_570 = arith.index_cast %scan3A_191 : i32 to index
        %swap3A_571 = arith.constant 544 : index
        %swap3A_572 = tpu.vector_load %arg8[%swap3A_569, %swap3A_570, %swap3A_571] {strides = array<i32>} : memref<3x16x1024xf32, #tpu.memory_space<vmem>>, vector<1x1x16xf32>,
        %swap3A_573 = vector.shape_cast %swap3A_572 : vector<1x1x16xf32> to vector<16xf32>
        %swap3A_574 = vector.shape_cast %get3A_568 : vector<16xf32> to vector<1x1x16xf32>
        tpu.vector_store %arg8[%swap3A_569, %swap3A_570, %swap3A_571], %swap3A_574 {add = true, strides = array<i32>} : memref<3x16x1024xf32, #tpu.memory_space<vmem>>, vector<1x1x16xf32>,
        %get3A_575 = arith.index_cast %rem3A_127 : i32 to index
        %get3A_576 = arith.index_cast %scan3A_191 : i32 to index
        %get3A_577 = arith.constant 560 : index
        %get3A_578 = tpu.vector_load %arg7[%get3A_575, %get3A_576, %get3A_577] {strides = array<i32>} : memref<3x16x1024xf32, #tpu.memory_space<vmem>>, vector<1x1x16xf32>,
        %get3A_579 = vector.shape_cast %get3A_578 : vector<1x1x16xf32> to vector<16xf32>
        %swap3A_580 = arith.index_cast %rem3A_127 : i32 to index
        %swap3A_581 = arith.index_cast %scan3A_191 : i32 to index
        %swap3A_582 = arith.constant 560 : index
        %swap3A_583 = tpu.vector_load %arg8[%swap3A_580, %swap3A_581, %swap3A_582] {strides = array<i32>} : memref<3x16x1024xf32, #tpu.memory_space<vmem>>, vector<1x1x16xf32>,
        %swap3A_584 = vector.shape_cast %swap3A_583 : vector<1x1x16xf32> to vector<16xf32>
        %swap3A_585 = vector.shape_cast %get3A_579 : vector<16xf32> to vector<1x1x16xf32>
        tpu.vector_store %arg8[%swap3A_580, %swap3A_581, %swap3A_582], %swap3A_585 {add = true, strides = array<i32>} : memref<3x16x1024xf32, #tpu.memory_space<vmem>>, vector<1x1x16xf32>,
        %get3A_586 = arith.index_cast %rem3A_127 : i32 to index
        %get3A_587 = arith.index_cast %scan3A_191 : i32 to index
        %get3A_588 = arith.constant 576 : index
        %get3A_589 = tpu.vector_load %arg7[%get3A_586, %get3A_587, %get3A_588] {strides = array<i32>} : memref<3x16x1024xf32, #tpu.memory_space<vmem>>, vector<1x1x16xf32>,
        %get3A_590 = vector.shape_cast %get3A_589 : vector<1x1x16xf32> to vector<16xf32>
        %swap3A_591 = arith.index_cast %rem3A_127 : i32 to index
        %swap3A_592 = arith.index_cast %scan3A_191 : i32 to index
        %swap3A_593 = arith.constant 576 : index
        %swap3A_594 = tpu.vector_load %arg8[%swap3A_591, %swap3A_592, %swap3A_593] {strides = array<i32>} : memref<3x16x1024xf32, #tpu.memory_space<vmem>>, vector<1x1x16xf32>,
        %swap3A_595 = vector.shape_cast %swap3A_594 : vector<1x1x16xf32> to vector<16xf32>
        %swap3A_596 = vector.shape_cast %get3A_590 : vector<16xf32> to vector<1x1x16xf32>
        tpu.vector_store %arg8[%swap3A_591, %swap3A_592, %swap3A_593], %swap3A_596 {add = true, strides = array<i32>} : memref<3x16x1024xf32, #tpu.memory_space<vmem>>, vector<1x1x16xf32>,
        %get3A_597 = arith.index_cast %rem3A_127 : i32 to index
        %get3A_598 = arith.index_cast %scan3A_191 : i32 to index
        %get3A_599 = arith.constant 592 : index
        %get3A_600 = tpu.vector_load %arg7[%get3A_597, %get3A_598, %get3A_599] {strides = array<i32>} : memref<3x16x1024xf32, #tpu.memory_space<vmem>>, vector<1x1x16xf32>,
        %get3A_601 = vector.shape_cast %get3A_600 : vector<1x1x16xf32> to vector<16xf32>
        %swap3A_602 = arith.index_cast %rem3A_127 : i32 to index
        %swap3A_603 = arith.index_cast %scan3A_191 : i32 to index
        %swap3A_604 = arith.constant 592 : index
        %swap3A_605 = tpu.vector_load %arg8[%swap3A_602, %swap3A_603, %swap3A_604] {strides = array<i32>} : memref<3x16x1024xf32, #tpu.memory_space<vmem>>, vector<1x1x16xf32>,
        %swap3A_606 = vector.shape_cast %swap3A_605 : vector<1x1x16xf32> to vector<16xf32>
        %swap3A_607 = vector.shape_cast %get3A_601 : vector<16xf32> to vector<1x1x16xf32>
        tpu.vector_store %arg8[%swap3A_602, %swap3A_603, %swap3A_604], %swap3A_607 {add = true, strides = array<i32>} : memref<3x16x1024xf32, #tpu.memory_space<vmem>>, vector<1x1x16xf32>,
        %get3A_608 = arith.index_cast %rem3A_127 : i32 to index
        %get3A_609 = arith.index_cast %scan3A_191 : i32 to index
        %get3A_610 = arith.constant 608 : index
        %get3A_611 = tpu.vector_load %arg7[%get3A_608, %get3A_609, %get3A_610] {strides = array<i32>} : memref<3x16x1024xf32, #tpu.memory_space<vmem>>, vector<1x1x16xf32>,
        %get3A_612 = vector.shape_cast %get3A_611 : vector<1x1x16xf32> to vector<16xf32>
        %swap3A_613 = arith.index_cast %rem3A_127 : i32 to index
        %swap3A_614 = arith.index_cast %scan3A_191 : i32 to index
        %swap3A_615 = arith.constant 608 : index
        %swap3A_616 = tpu.vector_load %arg8[%swap3A_613, %swap3A_614, %swap3A_615] {strides = array<i32>} : memref<3x16x1024xf32, #tpu.memory_space<vmem>>, vector<1x1x16xf32>,
        %swap3A_617 = vector.shape_cast %swap3A_616 : vector<1x1x16xf32> to vector<16xf32>
        %swap3A_618 = vector.shape_cast %get3A_612 : vector<16xf32> to vector<1x1x16xf32>
        tpu.vector_store %arg8[%swap3A_613, %swap3A_614, %swap3A_615], %swap3A_618 {add = true, strides = array<i32>} : memref<3x16x1024xf32, #tpu.memory_space<vmem>>, vector<1x1x16xf32>,
        %get3A_619 = arith.index_cast %rem3A_127 : i32 to index
        %get3A_620 = arith.index_cast %scan3A_191 : i32 to index
        %get3A_621 = arith.constant 624 : index
        %get3A_622 = tpu.vector_load %arg7[%get3A_619, %get3A_620, %get3A_621] {strides = array<i32>} : memref<3x16x1024xf32, #tpu.memory_space<vmem>>, vector<1x1x16xf32>,
        %get3A_623 = vector.shape_cast %get3A_622 : vector<1x1x16xf32> to vector<16xf32>
        %swap3A_624 = arith.index_cast %rem3A_127 : i32 to index
        %swap3A_625 = arith.index_cast %scan3A_191 : i32 to index
        %swap3A_626 = arith.constant 624 : index
        %swap3A_627 = tpu.vector_load %arg8[%swap3A_624, %swap3A_625, %swap3A_626] {strides = array<i32>} : memref<3x16x1024xf32, #tpu.memory_space<vmem>>, vector<1x1x16xf32>,
        %swap3A_628 = vector.shape_cast %swap3A_627 : vector<1x1x16xf32> to vector<16xf32>
        %swap3A_629 = vector.shape_cast %get3A_623 : vector<16xf32> to vector<1x1x16xf32>
        tpu.vector_store %arg8[%swap3A_624, %swap3A_625, %swap3A_626], %swap3A_629 {add = true, strides = array<i32>} : memref<3x16x1024xf32, #tpu.memory_space<vmem>>, vector<1x1x16xf32>,
        %get3A_630 = arith.index_cast %rem3A_127 : i32 to index
        %get3A_631 = arith.index_cast %scan3A_191 : i32 to index
        %get3A_632 = arith.constant 640 : index
        %get3A_633 = tpu.vector_load %arg7[%get3A_630, %get3A_631, %get3A_632] {strides = array<i32>} : memref<3x16x1024xf32, #tpu.memory_space<vmem>>, vector<1x1x16xf32>,
        %get3A_634 = vector.shape_cast %get3A_633 : vector<1x1x16xf32> to vector<16xf32>
        %swap3A_635 = arith.index_cast %rem3A_127 : i32 to index
        %swap3A_636 = arith.index_cast %scan3A_191 : i32 to index
        %swap3A_637 = arith.constant 640 : index
        %swap3A_638 = tpu.vector_load %arg8[%swap3A_635, %swap3A_636, %swap3A_637] {strides = array<i32>} : memref<3x16x1024xf32, #tpu.memory_space<vmem>>, vector<1x1x16xf32>,
        %swap3A_639 = vector.shape_cast %swap3A_638 : vector<1x1x16xf32> to vector<16xf32>
        %swap3A_640 = vector.shape_cast %get3A_634 : vector<16xf32> to vector<1x1x16xf32>
        tpu.vector_store %arg8[%swap3A_635, %swap3A_636, %swap3A_637], %swap3A_640 {add = true, strides = array<i32>} : memref<3x16x1024xf32, #tpu.memory_space<vmem>>, vector<1x1x16xf32>,
        %get3A_641 = arith.index_cast %rem3A_127 : i32 to index
        %get3A_642 = arith.index_cast %scan3A_191 : i32 to index
        %get3A_643 = arith.constant 656 : index
        %get3A_644 = tpu.vector_load %arg7[%get3A_641, %get3A_642, %get3A_643] {strides = array<i32>} : memref<3x16x1024xf32, #tpu.memory_space<vmem>>, vector<1x1x16xf32>,
        %get3A_645 = vector.shape_cast %get3A_644 : vector<1x1x16xf32> to vector<16xf32>
        %swap3A_646 = arith.index_cast %rem3A_127 : i32 to index
        %swap3A_647 = arith.index_cast %scan3A_191 : i32 to index
        %swap3A_648 = arith.constant 656 : index
        %swap3A_649 = tpu.vector_load %arg8[%swap3A_646, %swap3A_647, %swap3A_648] {strides = array<i32>} : memref<3x16x1024xf32, #tpu.memory_space<vmem>>, vector<1x1x16xf32>,
        %swap3A_650 = vector.shape_cast %swap3A_649 : vector<1x1x16xf32> to vector<16xf32>
        %swap3A_651 = vector.shape_cast %get3A_645 : vector<16xf32> to vector<1x1x16xf32>
        tpu.vector_store %arg8[%swap3A_646, %swap3A_647, %swap3A_648], %swap3A_651 {add = true, strides = array<i32>} : memref<3x16x1024xf32, #tpu.memory_space<vmem>>, vector<1x1x16xf32>,
        %get3A_652 = arith.index_cast %rem3A_127 : i32 to index
        %get3A_653 = arith.index_cast %scan3A_191 : i32 to index
        %get3A_654 = arith.constant 672 : index
        %get3A_655 = tpu.vector_load %arg7[%get3A_652, %get3A_653, %get3A_654] {strides = array<i32>} : memref<3x16x1024xf32, #tpu.memory_space<vmem>>, vector<1x1x16xf32>,
        %get3A_656 = vector.shape_cast %get3A_655 : vector<1x1x16xf32> to vector<16xf32>
        %swap3A_657 = arith.index_cast %rem3A_127 : i32 to index
        %swap3A_658 = arith.index_cast %scan3A_191 : i32 to index
        %swap3A_659 = arith.constant 672 : index
        %swap3A_660 = tpu.vector_load %arg8[%swap3A_657, %swap3A_658, %swap3A_659] {strides = array<i32>} : memref<3x16x1024xf32, #tpu.memory_space<vmem>>, vector<1x1x16xf32>,
        %swap3A_661 = vector.shape_cast %swap3A_660 : vector<1x1x16xf32> to vector<16xf32>
        %swap3A_662 = vector.shape_cast %get3A_656 : vector<16xf32> to vector<1x1x16xf32>
        tpu.vector_store %arg8[%swap3A_657, %swap3A_658, %swap3A_659], %swap3A_662 {add = true, strides = array<i32>} : memref<3x16x1024xf32, #tpu.memory_space<vmem>>, vector<1x1x16xf32>,
        %get3A_663 = arith.index_cast %rem3A_127 : i32 to index
        %get3A_664 = arith.index_cast %scan3A_191 : i32 to index
        %get3A_665 = arith.constant 688 : index
        %get3A_666 = tpu.vector_load %arg7[%get3A_663, %get3A_664, %get3A_665] {strides = array<i32>} : memref<3x16x1024xf32, #tpu.memory_space<vmem>>, vector<1x1x16xf32>,
        %get3A_667 = vector.shape_cast %get3A_666 : vector<1x1x16xf32> to vector<16xf32>
        %swap3A_668 = arith.index_cast %rem3A_127 : i32 to index
        %swap3A_669 = arith.index_cast %scan3A_191 : i32 to index
        %swap3A_670 = arith.constant 688 : index
        %swap3A_671 = tpu.vector_load %arg8[%swap3A_668, %swap3A_669, %swap3A_670] {strides = array<i32>} : memref<3x16x1024xf32, #tpu.memory_space<vmem>>, vector<1x1x16xf32>,
        %swap3A_672 = vector.shape_cast %swap3A_671 : vector<1x1x16xf32> to vector<16xf32>
        %swap3A_673 = vector.shape_cast %get3A_667 : vector<16xf32> to vector<1x1x16xf32>
        tpu.vector_store %arg8[%swap3A_668, %swap3A_669, %swap3A_670], %swap3A_673 {add = true, strides = array<i32>} : memref<3x16x1024xf32, #tpu.memory_space<vmem>>, vector<1x1x16xf32>,
        %get3A_674 = arith.index_cast %rem3A_127 : i32 to index
        %get3A_675 = arith.index_cast %scan3A_191 : i32 to index
        %get3A_676 = arith.constant 704 : index
        %get3A_677 = tpu.vector_load %arg7[%get3A_674, %get3A_675, %get3A_676] {strides = array<i32>} : memref<3x16x1024xf32, #tpu.memory_space<vmem>>, vector<1x1x16xf32>,
        %get3A_678 = vector.shape_cast %get3A_677 : vector<1x1x16xf32> to vector<16xf32>
        %swap3A_679 = arith.index_cast %rem3A_127 : i32 to index
        %swap3A_680 = arith.index_cast %scan3A_191 : i32 to index
        %swap3A_681 = arith.constant 704 : index
        %swap3A_682 = tpu.vector_load %arg8[%swap3A_679, %swap3A_680, %swap3A_681] {strides = array<i32>} : memref<3x16x1024xf32, #tpu.memory_space<vmem>>, vector<1x1x16xf32>,
        %swap3A_683 = vector.shape_cast %swap3A_682 : vector<1x1x16xf32> to vector<16xf32>
        %swap3A_684 = vector.shape_cast %get3A_678 : vector<16xf32> to vector<1x1x16xf32>
        tpu.vector_store %arg8[%swap3A_679, %swap3A_680, %swap3A_681], %swap3A_684 {add = true, strides = array<i32>} : memref<3x16x1024xf32, #tpu.memory_space<vmem>>, vector<1x1x16xf32>,
        %get3A_685 = arith.index_cast %rem3A_127 : i32 to index
        %get3A_686 = arith.index_cast %scan3A_191 : i32 to index
        %get3A_687 = arith.constant 720 : index
        %get3A_688 = tpu.vector_load %arg7[%get3A_685, %get3A_686, %get3A_687] {strides = array<i32>} : memref<3x16x1024xf32, #tpu.memory_space<vmem>>, vector<1x1x16xf32>,
        %get3A_689 = vector.shape_cast %get3A_688 : vector<1x1x16xf32> to vector<16xf32>
        %swap3A_690 = arith.index_cast %rem3A_127 : i32 to index
        %swap3A_691 = arith.index_cast %scan3A_191 : i32 to index
        %swap3A_692 = arith.constant 720 : index
        %swap3A_693 = tpu.vector_load %arg8[%swap3A_690, %swap3A_691, %swap3A_692] {strides = array<i32>} : memref<3x16x1024xf32, #tpu.memory_space<vmem>>, vector<1x1x16xf32>,
        %swap3A_694 = vector.shape_cast %swap3A_693 : vector<1x1x16xf32> to vector<16xf32>
        %swap3A_695 = vector.shape_cast %get3A_689 : vector<16xf32> to vector<1x1x16xf32>
        tpu.vector_store %arg8[%swap3A_690, %swap3A_691, %swap3A_692], %swap3A_695 {add = true, strides = array<i32>} : memref<3x16x1024xf32, #tpu.memory_space<vmem>>, vector<1x1x16xf32>,
        %get3A_696 = arith.index_cast %rem3A_127 : i32 to index
        %get3A_697 = arith.index_cast %scan3A_191 : i32 to index
        %get3A_698 = arith.constant 736 : index
        %get3A_699 = tpu.vector_load %arg7[%get3A_696, %get3A_697, %get3A_698] {strides = array<i32>} : memref<3x16x1024xf32, #tpu.memory_space<vmem>>, vector<1x1x16xf32>,
        %get3A_700 = vector.shape_cast %get3A_699 : vector<1x1x16xf32> to vector<16xf32>
        %swap3A_701 = arith.index_cast %rem3A_127 : i32 to index
        %swap3A_702 = arith.index_cast %scan3A_191 : i32 to index
        %swap3A_703 = arith.constant 736 : index
        %swap3A_704 = tpu.vector_load %arg8[%swap3A_701, %swap3A_702, %swap3A_703] {strides = array<i32>} : memref<3x16x1024xf32, #tpu.memory_space<vmem>>, vector<1x1x16xf32>,
        %swap3A_705 = vector.shape_cast %swap3A_704 : vector<1x1x16xf32> to vector<16xf32>
        %swap3A_706 = vector.shape_cast %get3A_700 : vector<16xf32> to vector<1x1x16xf32>
        tpu.vector_store %arg8[%swap3A_701, %swap3A_702, %swap3A_703], %swap3A_706 {add = true, strides = array<i32>} : memref<3x16x1024xf32, #tpu.memory_space<vmem>>, vector<1x1x16xf32>,
        %get3A_707 = arith.index_cast %rem3A_127 : i32 to index
        %get3A_708 = arith.index_cast %scan3A_191 : i32 to index
        %get3A_709 = arith.constant 752 : index
        %get3A_710 = tpu.vector_load %arg7[%get3A_707, %get3A_708, %get3A_709] {strides = array<i32>} : memref<3x16x1024xf32, #tpu.memory_space<vmem>>, vector<1x1x16xf32>,
        %get3A_711 = vector.shape_cast %get3A_710 : vector<1x1x16xf32> to vector<16xf32>
        %swap3A_712 = arith.index_cast %rem3A_127 : i32 to index
        %swap3A_713 = arith.index_cast %scan3A_191 : i32 to index
        %swap3A_714 = arith.constant 752 : index
        %swap3A_715 = tpu.vector_load %arg8[%swap3A_712, %swap3A_713, %swap3A_714] {strides = array<i32>} : memref<3x16x1024xf32, #tpu.memory_space<vmem>>, vector<1x1x16xf32>,
        %swap3A_716 = vector.shape_cast %swap3A_715 : vector<1x1x16xf32> to vector<16xf32>
        %swap3A_717 = vector.shape_cast %get3A_711 : vector<16xf32> to vector<1x1x16xf32>
        tpu.vector_store %arg8[%swap3A_712, %swap3A_713, %swap3A_714], %swap3A_717 {add = true, strides = array<i32>} : memref<3x16x1024xf32, #tpu.memory_space<vmem>>, vector<1x1x16xf32>,
        %get3A_718 = arith.index_cast %rem3A_127 : i32 to index
        %get3A_719 = arith.index_cast %scan3A_191 : i32 to index
        %get3A_720 = arith.constant 768 : index
        %get3A_721 = tpu.vector_load %arg7[%get3A_718, %get3A_719, %get3A_720] {strides = array<i32>} : memref<3x16x1024xf32, #tpu.memory_space<vmem>>, vector<1x1x16xf32>,
        %get3A_722 = vector.shape_cast %get3A_721 : vector<1x1x16xf32> to vector<16xf32>
        %swap3A_723 = arith.index_cast %rem3A_127 : i32 to index
        %swap3A_724 = arith.index_cast %scan3A_191 : i32 to index
        %swap3A_725 = arith.constant 768 : index
        %swap3A_726 = tpu.vector_load %arg8[%swap3A_723, %swap3A_724, %swap3A_725] {strides = array<i32>} : memref<3x16x1024xf32, #tpu.memory_space<vmem>>, vector<1x1x16xf32>,
        %swap3A_727 = vector.shape_cast %swap3A_726 : vector<1x1x16xf32> to vector<16xf32>
        %swap3A_728 = vector.shape_cast %get3A_722 : vector<16xf32> to vector<1x1x16xf32>
        tpu.vector_store %arg8[%swap3A_723, %swap3A_724, %swap3A_725], %swap3A_728 {add = true, strides = array<i32>} : memref<3x16x1024xf32, #tpu.memory_space<vmem>>, vector<1x1x16xf32>,
        %get3A_729 = arith.index_cast %rem3A_127 : i32 to index
        %get3A_730 = arith.index_cast %scan3A_191 : i32 to index
        %get3A_731 = arith.constant 784 : index
        %get3A_732 = tpu.vector_load %arg7[%get3A_729, %get3A_730, %get3A_731] {strides = array<i32>} : memref<3x16x1024xf32, #tpu.memory_space<vmem>>, vector<1x1x16xf32>,
        %get3A_733 = vector.shape_cast %get3A_732 : vector<1x1x16xf32> to vector<16xf32>
        %swap3A_734 = arith.index_cast %rem3A_127 : i32 to index
        %swap3A_735 = arith.index_cast %scan3A_191 : i32 to index
        %swap3A_736 = arith.constant 784 : index
        %swap3A_737 = tpu.vector_load %arg8[%swap3A_734, %swap3A_735, %swap3A_736] {strides = array<i32>} : memref<3x16x1024xf32, #tpu.memory_space<vmem>>, vector<1x1x16xf32>,
        %swap3A_738 = vector.shape_cast %swap3A_737 : vector<1x1x16xf32> to vector<16xf32>
        %swap3A_739 = vector.shape_cast %get3A_733 : vector<16xf32> to vector<1x1x16xf32>
        tpu.vector_store %arg8[%swap3A_734, %swap3A_735, %swap3A_736], %swap3A_739 {add = true, strides = array<i32>} : memref<3x16x1024xf32, #tpu.memory_space<vmem>>, vector<1x1x16xf32>,
        %get3A_740 = arith.index_cast %rem3A_127 : i32 to index
        %get3A_741 = arith.index_cast %scan3A_191 : i32 to index
        %get3A_742 = arith.constant 800 : index
        %get3A_743 = tpu.vector_load %arg7[%get3A_740, %get3A_741, %get3A_742] {strides = array<i32>} : memref<3x16x1024xf32, #tpu.memory_space<vmem>>, vector<1x1x16xf32>,
        %get3A_744 = vector.shape_cast %get3A_743 : vector<1x1x16xf32> to vector<16xf32>
        %swap3A_745 = arith.index_cast %rem3A_127 : i32 to index
        %swap3A_746 = arith.index_cast %scan3A_191 : i32 to index
        %swap3A_747 = arith.constant 800 : index
        %swap3A_748 = tpu.vector_load %arg8[%swap3A_745, %swap3A_746, %swap3A_747] {strides = array<i32>} : memref<3x16x1024xf32, #tpu.memory_space<vmem>>, vector<1x1x16xf32>,
        %swap3A_749 = vector.shape_cast %swap3A_748 : vector<1x1x16xf32> to vector<16xf32>
        %swap3A_750 = vector.shape_cast %get3A_744 : vector<16xf32> to vector<1x1x16xf32>
        tpu.vector_store %arg8[%swap3A_745, %swap3A_746, %swap3A_747], %swap3A_750 {add = true, strides = array<i32>} : memref<3x16x1024xf32, #tpu.memory_space<vmem>>, vector<1x1x16xf32>,
        %get3A_751 = arith.index_cast %rem3A_127 : i32 to index
        %get3A_752 = arith.index_cast %scan3A_191 : i32 to index
        %get3A_753 = arith.constant 816 : index
        %get3A_754 = tpu.vector_load %arg7[%get3A_751, %get3A_752, %get3A_753] {strides = array<i32>} : memref<3x16x1024xf32, #tpu.memory_space<vmem>>, vector<1x1x16xf32>,
        %get3A_755 = vector.shape_cast %get3A_754 : vector<1x1x16xf32> to vector<16xf32>
        %swap3A_756 = arith.index_cast %rem3A_127 : i32 to index
        %swap3A_757 = arith.index_cast %scan3A_191 : i32 to index
        %swap3A_758 = arith.constant 816 : index
        %swap3A_759 = tpu.vector_load %arg8[%swap3A_756, %swap3A_757, %swap3A_758] {strides = array<i32>} : memref<3x16x1024xf32, #tpu.memory_space<vmem>>, vector<1x1x16xf32>,
        %swap3A_760 = vector.shape_cast %swap3A_759 : vector<1x1x16xf32> to vector<16xf32>
        %swap3A_761 = vector.shape_cast %get3A_755 : vector<16xf32> to vector<1x1x16xf32>
        tpu.vector_store %arg8[%swap3A_756, %swap3A_757, %swap3A_758], %swap3A_761 {add = true, strides = array<i32>} : memref<3x16x1024xf32, #tpu.memory_space<vmem>>, vector<1x1x16xf32>,
        %get3A_762 = arith.index_cast %rem3A_127 : i32 to index
        %get3A_763 = arith.index_cast %scan3A_191 : i32 to index
        %get3A_764 = arith.constant 832 : index
        %get3A_765 = tpu.vector_load %arg7[%get3A_762, %get3A_763, %get3A_764] {strides = array<i32>} : memref<3x16x1024xf32, #tpu.memory_space<vmem>>, vector<1x1x16xf32>,
        %get3A_766 = vector.shape_cast %get3A_765 : vector<1x1x16xf32> to vector<16xf32>
        %swap3A_767 = arith.index_cast %rem3A_127 : i32 to index
        %swap3A_768 = arith.index_cast %scan3A_191 : i32 to index
        %swap3A_769 = arith.constant 832 : index
        %swap3A_770 = tpu.vector_load %arg8[%swap3A_767, %swap3A_768, %swap3A_769] {strides = array<i32>} : memref<3x16x1024xf32, #tpu.memory_space<vmem>>, vector<1x1x16xf32>,
        %swap3A_771 = vector.shape_cast %swap3A_770 : vector<1x1x16xf32> to vector<16xf32>
        %swap3A_772 = vector.shape_cast %get3A_766 : vector<16xf32> to vector<1x1x16xf32>
        tpu.vector_store %arg8[%swap3A_767, %swap3A_768, %swap3A_769], %swap3A_772 {add = true, strides = array<i32>} : memref<3x16x1024xf32, #tpu.memory_space<vmem>>, vector<1x1x16xf32>,
        %get3A_773 = arith.index_cast %rem3A_127 : i32 to index
        %get3A_774 = arith.index_cast %scan3A_191 : i32 to index
        %get3A_775 = arith.constant 848 : index
        %get3A_776 = tpu.vector_load %arg7[%get3A_773, %get3A_774, %get3A_775] {strides = array<i32>} : memref<3x16x1024xf32, #tpu.memory_space<vmem>>, vector<1x1x16xf32>,
        %get3A_777 = vector.shape_cast %get3A_776 : vector<1x1x16xf32> to vector<16xf32>
        %swap3A_778 = arith.index_cast %rem3A_127 : i32 to index
        %swap3A_779 = arith.index_cast %scan3A_191 : i32 to index
        %swap3A_780 = arith.constant 848 : index
        %swap3A_781 = tpu.vector_load %arg8[%swap3A_778, %swap3A_779, %swap3A_780] {strides = array<i32>} : memref<3x16x1024xf32, #tpu.memory_space<vmem>>, vector<1x1x16xf32>,
        %swap3A_782 = vector.shape_cast %swap3A_781 : vector<1x1x16xf32> to vector<16xf32>
        %swap3A_783 = vector.shape_cast %get3A_777 : vector<16xf32> to vector<1x1x16xf32>
        tpu.vector_store %arg8[%swap3A_778, %swap3A_779, %swap3A_780], %swap3A_783 {add = true, strides = array<i32>} : memref<3x16x1024xf32, #tpu.memory_space<vmem>>, vector<1x1x16xf32>,
        %get3A_784 = arith.index_cast %rem3A_127 : i32 to index
        %get3A_785 = arith.index_cast %scan3A_191 : i32 to index
        %get3A_786 = arith.constant 864 : index
        %get3A_787 = tpu.vector_load %arg7[%get3A_784, %get3A_785, %get3A_786] {strides = array<i32>} : memref<3x16x1024xf32, #tpu.memory_space<vmem>>, vector<1x1x16xf32>,
        %get3A_788 = vector.shape_cast %get3A_787 : vector<1x1x16xf32> to vector<16xf32>
        %swap3A_789 = arith.index_cast %rem3A_127 : i32 to index
        %swap3A_790 = arith.index_cast %scan3A_191 : i32 to index
        %swap3A_791 = arith.constant 864 : index
        %swap3A_792 = tpu.vector_load %arg8[%swap3A_789, %swap3A_790, %swap3A_791] {strides = array<i32>} : memref<3x16x1024xf32, #tpu.memory_space<vmem>>, vector<1x1x16xf32>,
        %swap3A_793 = vector.shape_cast %swap3A_792 : vector<1x1x16xf32> to vector<16xf32>
        %swap3A_794 = vector.shape_cast %get3A_788 : vector<16xf32> to vector<1x1x16xf32>
        tpu.vector_store %arg8[%swap3A_789, %swap3A_790, %swap3A_791], %swap3A_794 {add = true, strides = array<i32>} : memref<3x16x1024xf32, #tpu.memory_space<vmem>>, vector<1x1x16xf32>,
        %get3A_795 = arith.index_cast %rem3A_127 : i32 to index
        %get3A_796 = arith.index_cast %scan3A_191 : i32 to index
        %get3A_797 = arith.constant 880 : index
        %get3A_798 = tpu.vector_load %arg7[%get3A_795, %get3A_796, %get3A_797] {strides = array<i32>} : memref<3x16x1024xf32, #tpu.memory_space<vmem>>, vector<1x1x16xf32>,
        %get3A_799 = vector.shape_cast %get3A_798 : vector<1x1x16xf32> to vector<16xf32>
        %swap3A_800 = arith.index_cast %rem3A_127 : i32 to index
        %swap3A_801 = arith.index_cast %scan3A_191 : i32 to index
        %swap3A_802 = arith.constant 880 : index
        %swap3A_803 = tpu.vector_load %arg8[%swap3A_800, %swap3A_801, %swap3A_802] {strides = array<i32>} : memref<3x16x1024xf32, #tpu.memory_space<vmem>>, vector<1x1x16xf32>,
        %swap3A_804 = vector.shape_cast %swap3A_803 : vector<1x1x16xf32> to vector<16xf32>
        %swap3A_805 = vector.shape_cast %get3A_799 : vector<16xf32> to vector<1x1x16xf32>
        tpu.vector_store %arg8[%swap3A_800, %swap3A_801, %swap3A_802], %swap3A_805 {add = true, strides = array<i32>} : memref<3x16x1024xf32, #tpu.memory_space<vmem>>, vector<1x1x16xf32>,
        %get3A_806 = arith.index_cast %rem3A_127 : i32 to index
        %get3A_807 = arith.index_cast %scan3A_191 : i32 to index
        %get3A_808 = arith.constant 896 : index
        %get3A_809 = tpu.vector_load %arg7[%get3A_806, %get3A_807, %get3A_808] {strides = array<i32>} : memref<3x16x1024xf32, #tpu.memory_space<vmem>>, vector<1x1x16xf32>,
        %get3A_810 = vector.shape_cast %get3A_809 : vector<1x1x16xf32> to vector<16xf32>
        %swap3A_811 = arith.index_cast %rem3A_127 : i32 to index
        %swap3A_812 = arith.index_cast %scan3A_191 : i32 to index
        %swap3A_813 = arith.constant 896 : index
        %swap3A_814 = tpu.vector_load %arg8[%swap3A_811, %swap3A_812, %swap3A_813] {strides = array<i32>} : memref<3x16x1024xf32, #tpu.memory_space<vmem>>, vector<1x1x16xf32>,
        %swap3A_815 = vector.shape_cast %swap3A_814 : vector<1x1x16xf32> to vector<16xf32>
        %swap3A_816 = vector.shape_cast %get3A_810 : vector<16xf32> to vector<1x1x16xf32>
        tpu.vector_store %arg8[%swap3A_811, %swap3A_812, %swap3A_813], %swap3A_816 {add = true, strides = array<i32>} : memref<3x16x1024xf32, #tpu.memory_space<vmem>>, vector<1x1x16xf32>,
        %get3A_817 = arith.index_cast %rem3A_127 : i32 to index
        %get3A_818 = arith.index_cast %scan3A_191 : i32 to index
        %get3A_819 = arith.constant 912 : index
        %get3A_820 = tpu.vector_load %arg7[%get3A_817, %get3A_818, %get3A_819] {strides = array<i32>} : memref<3x16x1024xf32, #tpu.memory_space<vmem>>, vector<1x1x16xf32>,
        %get3A_821 = vector.shape_cast %get3A_820 : vector<1x1x16xf32> to vector<16xf32>
        %swap3A_822 = arith.index_cast %rem3A_127 : i32 to index
        %swap3A_823 = arith.index_cast %scan3A_191 : i32 to index
        %swap3A_824 = arith.constant 912 : index
        %swap3A_825 = tpu.vector_load %arg8[%swap3A_822, %swap3A_823, %swap3A_824] {strides = array<i32>} : memref<3x16x1024xf32, #tpu.memory_space<vmem>>, vector<1x1x16xf32>,
        %swap3A_826 = vector.shape_cast %swap3A_825 : vector<1x1x16xf32> to vector<16xf32>
        %swap3A_827 = vector.shape_cast %get3A_821 : vector<16xf32> to vector<1x1x16xf32>
        tpu.vector_store %arg8[%swap3A_822, %swap3A_823, %swap3A_824], %swap3A_827 {add = true, strides = array<i32>} : memref<3x16x1024xf32, #tpu.memory_space<vmem>>, vector<1x1x16xf32>,
        %get3A_828 = arith.index_cast %rem3A_127 : i32 to index
        %get3A_829 = arith.index_cast %scan3A_191 : i32 to index
        %get3A_830 = arith.constant 928 : index
        %get3A_831 = tpu.vector_load %arg7[%get3A_828, %get3A_829, %get3A_830] {strides = array<i32>} : memref<3x16x1024xf32, #tpu.memory_space<vmem>>, vector<1x1x16xf32>,
        %get3A_832 = vector.shape_cast %get3A_831 : vector<1x1x16xf32> to vector<16xf32>
        %swap3A_833 = arith.index_cast %rem3A_127 : i32 to index
        %swap3A_834 = arith.index_cast %scan3A_191 : i32 to index
        %swap3A_835 = arith.constant 928 : index
        %swap3A_836 = tpu.vector_load %arg8[%swap3A_833, %swap3A_834, %swap3A_835] {strides = array<i32>} : memref<3x16x1024xf32, #tpu.memory_space<vmem>>, vector<1x1x16xf32>,
        %swap3A_837 = vector.shape_cast %swap3A_836 : vector<1x1x16xf32> to vector<16xf32>
        %swap3A_838 = vector.shape_cast %get3A_832 : vector<16xf32> to vector<1x1x16xf32>
        tpu.vector_store %arg8[%swap3A_833, %swap3A_834, %swap3A_835], %swap3A_838 {add = true, strides = array<i32>} : memref<3x16x1024xf32, #tpu.memory_space<vmem>>, vector<1x1x16xf32>,
        %get3A_839 = arith.index_cast %rem3A_127 : i32 to index
        %get3A_840 = arith.index_cast %scan3A_191 : i32 to index
        %get3A_841 = arith.constant 944 : index
        %get3A_842 = tpu.vector_load %arg7[%get3A_839, %get3A_840, %get3A_841] {strides = array<i32>} : memref<3x16x1024xf32, #tpu.memory_space<vmem>>, vector<1x1x16xf32>,
        %get3A_843 = vector.shape_cast %get3A_842 : vector<1x1x16xf32> to vector<16xf32>
        %swap3A_844 = arith.index_cast %rem3A_127 : i32 to index
        %swap3A_845 = arith.index_cast %scan3A_191 : i32 to index
        %swap3A_846 = arith.constant 944 : index
        %swap3A_847 = tpu.vector_load %arg8[%swap3A_844, %swap3A_845, %swap3A_846] {strides = array<i32>} : memref<3x16x1024xf32, #tpu.memory_space<vmem>>, vector<1x1x16xf32>,
        %swap3A_848 = vector.shape_cast %swap3A_847 : vector<1x1x16xf32> to vector<16xf32>
        %swap3A_849 = vector.shape_cast %get3A_843 : vector<16xf32> to vector<1x1x16xf32>
        tpu.vector_store %arg8[%swap3A_844, %swap3A_845, %swap3A_846], %swap3A_849 {add = true, strides = array<i32>} : memref<3x16x1024xf32, #tpu.memory_space<vmem>>, vector<1x1x16xf32>,
        %get3A_850 = arith.index_cast %rem3A_127 : i32 to index
        %get3A_851 = arith.index_cast %scan3A_191 : i32 to index
        %get3A_852 = arith.constant 960 : index
        %get3A_853 = tpu.vector_load %arg7[%get3A_850, %get3A_851, %get3A_852] {strides = array<i32>} : memref<3x16x1024xf32, #tpu.memory_space<vmem>>, vector<1x1x16xf32>,
        %get3A_854 = vector.shape_cast %get3A_853 : vector<1x1x16xf32> to vector<16xf32>
        %swap3A_855 = arith.index_cast %rem3A_127 : i32 to index
        %swap3A_856 = arith.index_cast %scan3A_191 : i32 to index
        %swap3A_857 = arith.constant 960 : index
        %swap3A_858 = tpu.vector_load %arg8[%swap3A_855, %swap3A_856, %swap3A_857] {strides = array<i32>} : memref<3x16x1024xf32, #tpu.memory_space<vmem>>, vector<1x1x16xf32>,
        %swap3A_859 = vector.shape_cast %swap3A_858 : vector<1x1x16xf32> to vector<16xf32>
        %swap3A_860 = vector.shape_cast %get3A_854 : vector<16xf32> to vector<1x1x16xf32>
        tpu.vector_store %arg8[%swap3A_855, %swap3A_856, %swap3A_857], %swap3A_860 {add = true, strides = array<i32>} : memref<3x16x1024xf32, #tpu.memory_space<vmem>>, vector<1x1x16xf32>,
        %get3A_861 = arith.index_cast %rem3A_127 : i32 to index
        %get3A_862 = arith.index_cast %scan3A_191 : i32 to index
        %get3A_863 = arith.constant 976 : index
        %get3A_864 = tpu.vector_load %arg7[%get3A_861, %get3A_862, %get3A_863] {strides = array<i32>} : memref<3x16x1024xf32, #tpu.memory_space<vmem>>, vector<1x1x16xf32>,
        %get3A_865 = vector.shape_cast %get3A_864 : vector<1x1x16xf32> to vector<16xf32>
        %swap3A_866 = arith.index_cast %rem3A_127 : i32 to index
        %swap3A_867 = arith.index_cast %scan3A_191 : i32 to index
        %swap3A_868 = arith.constant 976 : index
        %swap3A_869 = tpu.vector_load %arg8[%swap3A_866, %swap3A_867, %swap3A_868] {strides = array<i32>} : memref<3x16x1024xf32, #tpu.memory_space<vmem>>, vector<1x1x16xf32>,
        %swap3A_870 = vector.shape_cast %swap3A_869 : vector<1x1x16xf32> to vector<16xf32>
        %swap3A_871 = vector.shape_cast %get3A_865 : vector<16xf32> to vector<1x1x16xf32>
        tpu.vector_store %arg8[%swap3A_866, %swap3A_867, %swap3A_868], %swap3A_871 {add = true, strides = array<i32>} : memref<3x16x1024xf32, #tpu.memory_space<vmem>>, vector<1x1x16xf32>,
        %get3A_872 = arith.index_cast %rem3A_127 : i32 to index
        %get3A_873 = arith.index_cast %scan3A_191 : i32 to index
        %get3A_874 = arith.constant 992 : index
        %get3A_875 = tpu.vector_load %arg7[%get3A_872, %get3A_873, %get3A_874] {strides = array<i32>} : memref<3x16x1024xf32, #tpu.memory_space<vmem>>, vector<1x1x16xf32>,
        %get3A_876 = vector.shape_cast %get3A_875 : vector<1x1x16xf32> to vector<16xf32>
        %swap3A_877 = arith.index_cast %rem3A_127 : i32 to index
        %swap3A_878 = arith.index_cast %scan3A_191 : i32 to index
        %swap3A_879 = arith.constant 992 : index
        %swap3A_880 = tpu.vector_load %arg8[%swap3A_877, %swap3A_878, %swap3A_879] {strides = array<i32>} : memref<3x16x1024xf32, #tpu.memory_space<vmem>>, vector<1x1x16xf32>,
        %swap3A_881 = vector.shape_cast %swap3A_880 : vector<1x1x16xf32> to vector<16xf32>
        %swap3A_882 = vector.shape_cast %get3A_876 : vector<16xf32> to vector<1x1x16xf32>
        tpu.vector_store %arg8[%swap3A_877, %swap3A_878, %swap3A_879], %swap3A_882 {add = true, strides = array<i32>} : memref<3x16x1024xf32, #tpu.memory_space<vmem>>, vector<1x1x16xf32>,
        %get3A_883 = arith.index_cast %rem3A_127 : i32 to index
        %get3A_884 = arith.index_cast %scan3A_191 : i32 to index
        %get3A_885 = arith.constant 1008 : index
        %get3A_886 = tpu.vector_load %arg7[%get3A_883, %get3A_884, %get3A_885] {strides = array<i32>} : memref<3x16x1024xf32, #tpu.memory_space<vmem>>, vector<1x1x16xf32>,
        %get3A_887 = vector.shape_cast %get3A_886 : vector<1x1x16xf32> to vector<16xf32>
        %swap3A_888 = arith.index_cast %rem3A_127 : i32 to index
        %swap3A_889 = arith.index_cast %scan3A_191 : i32 to index
        %swap3A_890 = arith.constant 1008 : index
        %swap3A_891 = tpu.vector_load %arg8[%swap3A_888, %swap3A_889, %swap3A_890] {strides = array<i32>} : memref<3x16x1024xf32, #tpu.memory_space<vmem>>, vector<1x1x16xf32>,
        %swap3A_892 = vector.shape_cast %swap3A_891 : vector<1x1x16xf32> to vector<16xf32>
        %swap3A_893 = vector.shape_cast %get3A_887 : vector<16xf32> to vector<1x1x16xf32>
        tpu.vector_store %arg8[%swap3A_888, %swap3A_889, %swap3A_890], %swap3A_893 {add = true, strides = array<i32>} : memref<3x16x1024xf32, #tpu.memory_space<vmem>>, vector<1x1x16xf32>,
      }
      %scan3A_168 = arith.constant 16 : i32
      %mul3A_169 = arith.constant 16 : i32
      %mul3A_170 = arith.muli %scan3A_126, %mul3A_169 : i32
      %add3A_171 = arith.addi %mul3A_2, %mul3A_170 : i32
      %dma_start3A_172 = arith.constant 0 : i32
      %dma_start3A_173 = arith.constant 0 : i32
      %dma_start3A_174 = tpu.memref_slice %arg8[%rem3A_127, %dma_start3A_172, %dma_start3A_173] : memref<3x16x1024xf32, #tpu.memory_space<vmem>> -> memref<1x16x1024xf32, #tpu.memory_space<vmem>>
      %dma_start3A_175 = tpu.memref_squeeze %dma_start3A_174 : memref<1x16x1024xf32, #tpu.memory_space<vmem>> -> memref<16x1024xf32, #tpu.memory_space<vmem>>
      %dma_start3A_176 = arith.constant 0 : i32
      %dma_start3A_177 = tpu.memref_slice %arg5[%add3A_171, %dma_start3A_176] : memref<32768x1024xf32, #tpu.memory_space<hbm>> -> memref<16x1024xf32, #tpu.memory_space<hbm>>
      %dma_start3A_178 = tpu.memref_slice %arg11[%rem3A_127] : memref<3x!tpu.dma_semaphore, #tpu.memory_space<semaphore_mem>> -> memref<1x!tpu.dma_semaphore, #tpu.memory_space<semaphore_mem>>
      %dma_start3A_179 = tpu.memref_squeeze %dma_start3A_178 : memref<1x!tpu.dma_semaphore, #tpu.memory_space<semaphore_mem>> -> memref<!tpu.dma_semaphore, #tpu.memory_space<semaphore_mem>>
      %dma_start3A_180 = arith.constant 0 : i32
      %dma_start3A_181 = tpu.memref_slice %arg5[%add3A_171, %dma_start3A_180] : memref<32768x1024xf32, #tpu.memory_space<hbm>> -> memref<16x1024xf32, #tpu.memory_space<hbm>>
      %dma_start3A_182 = arith.constant 0 : i32
      %dma_start3A_183 = arith.constant 0 : i32
      %dma_start3A_184 = tpu.memref_slice %arg8[%rem3A_127, %dma_start3A_182, %dma_start3A_183] : memref<3x16x1024xf32, #tpu.memory_space<vmem>> -> memref<1x16x1024xf32, #tpu.memory_space<vmem>>
      %dma_start3A_185 = tpu.memref_squeeze %dma_start3A_184 : memref<1x16x1024xf32, #tpu.memory_space<vmem>> -> memref<16x1024xf32, #tpu.memory_space<vmem>>
      tpu.enqueue_dma source(%dma_start3A_185 : memref<16x1024xf32, #tpu.memory_space<vmem>>) target(%dma_start3A_181 : memref<16x1024xf32, #tpu.memory_space<hbm>>) target_semaphore(%dma_start3A_179 : memref<!tpu.dma_semaphore, #tpu.memory_space<semaphore_mem>>)
      %lt3A_186 = arith.constant 64 : i32
      %lt3A_187 = arith.cmpi slt, %add3A_129, %lt3A_186 : i32
      %convert_element_type3A_188 = arith.extui %lt3A_187 : i1 to i32
      %cond3A_189 = arith.constant 0 : i32
      %cond3A_190 = arith.cmpi ne, %convert_element_type3A_188, %cond3A_189 : i32
      scf.if %cond3A_190 {
        %ge3A = arith.constant 1 : i32
        %ge3A_191 = arith.cmpi sge, %scan3A_126, %ge3A : i32
        %convert_element_type3A_192 = arith.extui %ge3A_191 : i1 to i32
        %cond3A_193 = arith.constant 0 : i32
        %cond3A_194 = arith.cmpi ne, %convert_element_type3A_192, %cond3A_193 : i32
        scf.if %cond3A_194 {
          %add3A_212 = arith.constant 0 : i32
          %add3A_213 = arith.addi %mul3A_2, %add3A_212 : i32
          %dma_wait3A_214 = arith.constant 0 : i32
          %dma_wait3A_215 = arith.constant 0 : i32
          %dma_wait3A_216 = tpu.memref_slice %arg8[%rem3A_131, %dma_wait3A_214, %dma_wait3A_215] : memref<3x16x1024xf32, #tpu.memory_space<vmem>> -> memref<1x16x1024xf32, #tpu.memory_space<vmem>>
          %dma_wait3A_217 = tpu.memref_squeeze %dma_wait3A_216 : memref<1x16x1024xf32, #tpu.memory_space<vmem>> -> memref<16x1024xf32, #tpu.memory_space<vmem>>
          %dma_wait3A_218 = arith.constant 0 : i32
          %dma_wait3A_219 = tpu.memref_slice %arg5[%add3A_213, %dma_wait3A_218] : memref<32768x1024xf32, #tpu.memory_space<hbm>> -> memref<16x1024xf32, #tpu.memory_space<hbm>>
          %dma_wait3A_220 = tpu.memref_slice %arg11[%rem3A_131] : memref<3x!tpu.dma_semaphore, #tpu.memory_space<semaphore_mem>> -> memref<1x!tpu.dma_semaphore, #tpu.memory_space<semaphore_mem>>
          %dma_wait3A_221 = tpu.memref_squeeze %dma_wait3A_220 : memref<1x!tpu.dma_semaphore, #tpu.memory_space<semaphore_mem>> -> memref<!tpu.dma_semaphore, #tpu.memory_space<semaphore_mem>>
          %dma_wait3A_222 = arith.constant 0 : i32
          %dma_wait3A_223 = tpu.memref_slice %arg5[%add3A_213, %dma_wait3A_222] : memref<32768x1024xf32, #tpu.memory_space<hbm>> -> memref<16x1024xf32, #tpu.memory_space<hbm>>
          %dma_wait3A_224 = arith.constant 0 : i32
          %dma_wait3A_225 = arith.constant 0 : i32
          %dma_wait3A_226 = tpu.memref_slice %arg8[%rem3A_131, %dma_wait3A_224, %dma_wait3A_225] : memref<3x16x1024xf32, #tpu.memory_space<vmem>> -> memref<1x16x1024xf32, #tpu.memory_space<vmem>>
          %dma_wait3A_227 = tpu.memref_squeeze %dma_wait3A_226 : memref<1x16x1024xf32, #tpu.memory_space<vmem>> -> memref<16x1024xf32, #tpu.memory_space<vmem>>
          tpu.wait_dma2 semaphore(%dma_wait3A_221 : memref<!tpu.dma_semaphore, #tpu.memory_space<semaphore_mem>>) src(%dma_wait3A_227 : memref<16x1024xf32, #tpu.memory_space<vmem>>) dst(%dma_wait3A_223 : memref<16x1024xf32, #tpu.memory_space<hbm>>)
        } else {
        }
        %mul3A_195 = arith.constant 16 : i32
        %mul3A_196 = arith.muli %add3A_129, %mul3A_195 : i32
        %add3A_197 = arith.addi %mul3A_2, %mul3A_196 : i32
        %dma_start3A_198 = arith.constant 0 : i32
        %dma_start3A_199 = arith.constant 0 : i32
        %dma_start3A_200 = tpu.memref_slice %arg8[%rem3A_131, %dma_start3A_198, %dma_start3A_199] : memref<3x16x1024xf32, #tpu.memory_space<vmem>> -> memref<1x16x1024xf32, #tpu.memory_space<vmem>>
        %dma_start3A_201 = tpu.memref_squeeze %dma_start3A_200 : memref<1x16x1024xf32, #tpu.memory_space<vmem>> -> memref<16x1024xf32, #tpu.memory_space<vmem>>
        %dma_start3A_202 = arith.constant 0 : i32
        %dma_start3A_203 = tpu.memref_slice %arg2[%add3A_197, %dma_start3A_202] : memref<32768x1024xf32, #tpu.memory_space<hbm>> -> memref<16x1024xf32, #tpu.memory_space<hbm>>
        %dma_start3A_204 = tpu.memref_slice %arg10[%rem3A_131] : memref<3x!tpu.dma_semaphore, #tpu.memory_space<semaphore_mem>> -> memref<1x!tpu.dma_semaphore, #tpu.memory_space<semaphore_mem>>
        %dma_start3A_205 = tpu.memref_squeeze %dma_start3A_204 : memref<1x!tpu.dma_semaphore, #tpu.memory_space<semaphore_mem>> -> memref<!tpu.dma_semaphore, #tpu.memory_space<semaphore_mem>>
        %dma_start3A_206 = arith.constant 0 : i32
        %dma_start3A_207 = arith.constant 0 : i32
        %dma_start3A_208 = tpu.memref_slice %arg8[%rem3A_131, %dma_start3A_206, %dma_start3A_207] : memref<3x16x1024xf32, #tpu.memory_space<vmem>> -> memref<1x16x1024xf32, #tpu.memory_space<vmem>>
        %dma_start3A_209 = tpu.memref_squeeze %dma_start3A_208 : memref<1x16x1024xf32, #tpu.memory_space<vmem>> -> memref<16x1024xf32, #tpu.memory_space<vmem>>
        %dma_start3A_210 = arith.constant 0 : i32
        %dma_start3A_211 = tpu.memref_slice %arg2[%add3A_197, %dma_start3A_210] : memref<32768x1024xf32, #tpu.memory_space<hbm>> -> memref<16x1024xf32, #tpu.memory_space<hbm>>
        tpu.enqueue_dma source(%dma_start3A_211 : memref<16x1024xf32, #tpu.memory_space<hbm>>) target(%dma_start3A_209 : memref<16x1024xf32, #tpu.memory_space<vmem>>) target_semaphore(%dma_start3A_205 : memref<!tpu.dma_semaphore, #tpu.memory_space<semaphore_mem>>)
      } else {
      }
    }
    %scan3A_72 = arith.constant 64 : i32
    %add3A_73 = arith.constant 0 : i32
    %add3A_74 = arith.addi %mul3A_2, %add3A_73 : i32
    %dma_wait3A = arith.constant 0 : i32
    %dma_wait3A_75 = arith.constant 0 : i32
    %dma_wait3A_76 = arith.constant 0 : i32
    %dma_wait3A_77 = arith.constant 0 : i32
    %dma_wait3A_78 = tpu.memref_slice %arg8[%dma_wait3A, %dma_wait3A_76, %dma_wait3A_77] : memref<3x16x1024xf32, #tpu.memory_space<vmem>> -> memref<1x16x1024xf32, #tpu.memory_space<vmem>>
    %dma_wait3A_79 = tpu.memref_squeeze %dma_wait3A_78 : memref<1x16x1024xf32, #tpu.memory_space<vmem>> -> memref<16x1024xf32, #tpu.memory_space<vmem>>
    %dma_wait3A_80 = arith.constant 0 : i32
    %dma_wait3A_81 = tpu.memref_slice %arg5[%add3A_74, %dma_wait3A_80] : memref<32768x1024xf32, #tpu.memory_space<hbm>> -> memref<16x1024xf32, #tpu.memory_space<hbm>>
    %dma_wait3A_82 = tpu.memref_slice %arg11[%dma_wait3A_75] : memref<3x!tpu.dma_semaphore, #tpu.memory_space<semaphore_mem>> -> memref<1x!tpu.dma_semaphore, #tpu.memory_space<semaphore_mem>>
    %dma_wait3A_83 = tpu.memref_squeeze %dma_wait3A_82 : memref<1x!tpu.dma_semaphore, #tpu.memory_space<semaphore_mem>> -> memref<!tpu.dma_semaphore, #tpu.memory_space<semaphore_mem>>
    %dma_wait3A_84 = arith.constant 0 : i32
    %dma_wait3A_85 = tpu.memref_slice %arg5[%add3A_74, %dma_wait3A_84] : memref<32768x1024xf32, #tpu.memory_space<hbm>> -> memref<16x1024xf32, #tpu.memory_space<hbm>>
    %dma_wait3A_86 = arith.constant 0 : i32
    %dma_wait3A_87 = arith.constant 0 : i32
    %dma_wait3A_88 = tpu.memref_slice %arg8[%dma_wait3A, %dma_wait3A_86, %dma_wait3A_87] : memref<3x16x1024xf32, #tpu.memory_space<vmem>> -> memref<1x16x1024xf32, #tpu.memory_space<vmem>>
    %dma_wait3A_89 = tpu.memref_squeeze %dma_wait3A_88 : memref<1x16x1024xf32, #tpu.memory_space<vmem>> -> memref<16x1024xf32, #tpu.memory_space<vmem>>
    tpu.wait_dma2 semaphore(%dma_wait3A_83 : memref<!tpu.dma_semaphore, #tpu.memory_space<semaphore_mem>>) src(%dma_wait3A_89 : memref<16x1024xf32, #tpu.memory_space<vmem>>) dst(%dma_wait3A_85 : memref<16x1024xf32, #tpu.memory_space<hbm>>)
    %add3A_90 = arith.constant 0 : i32
    %add3A_91 = arith.addi %mul3A_2, %add3A_90 : i32
    %dma_wait3A_92 = arith.constant 1 : i32
    %dma_wait3A_93 = arith.constant 1 : i32
    %dma_wait3A_94 = arith.constant 0 : i32
    %dma_wait3A_95 = arith.constant 0 : i32
    %dma_wait3A_96 = tpu.memref_slice %arg8[%dma_wait3A_92, %dma_wait3A_94, %dma_wait3A_95] : memref<3x16x1024xf32, #tpu.memory_space<vmem>> -> memref<1x16x1024xf32, #tpu.memory_space<vmem>>
    %dma_wait3A_97 = tpu.memref_squeeze %dma_wait3A_96 : memref<1x16x1024xf32, #tpu.memory_space<vmem>> -> memref<16x1024xf32, #tpu.memory_space<vmem>>
    %dma_wait3A_98 = arith.constant 0 : i32
    %dma_wait3A_99 = tpu.memref_slice %arg5[%add3A_91, %dma_wait3A_98] : memref<32768x1024xf32, #tpu.memory_space<hbm>> -> memref<16x1024xf32, #tpu.memory_space<hbm>>
    %dma_wait3A_100 = tpu.memref_slice %arg11[%dma_wait3A_93] : memref<3x!tpu.dma_semaphore, #tpu.memory_space<semaphore_mem>> -> memref<1x!tpu.dma_semaphore, #tpu.memory_space<semaphore_mem>>
    %dma_wait3A_101 = tpu.memref_squeeze %dma_wait3A_100 : memref<1x!tpu.dma_semaphore, #tpu.memory_space<semaphore_mem>> -> memref<!tpu.dma_semaphore, #tpu.memory_space<semaphore_mem>>
    %dma_wait3A_102 = arith.constant 0 : i32
    %dma_wait3A_103 = tpu.memref_slice %arg5[%add3A_91, %dma_wait3A_102] : memref<32768x1024xf32, #tpu.memory_space<hbm>> -> memref<16x1024xf32, #tpu.memory_space<hbm>>
    %dma_wait3A_104 = arith.constant 0 : i32
    %dma_wait3A_105 = arith.constant 0 : i32
    %dma_wait3A_106 = tpu.memref_slice %arg8[%dma_wait3A_92, %dma_wait3A_104, %dma_wait3A_105] : memref<3x16x1024xf32, #tpu.memory_space<vmem>> -> memref<1x16x1024xf32, #tpu.memory_space<vmem>>
    %dma_wait3A_107 = tpu.memref_squeeze %dma_wait3A_106 : memref<1x16x1024xf32, #tpu.memory_space<vmem>> -> memref<16x1024xf32, #tpu.memory_space<vmem>>
    tpu.wait_dma2 semaphore(%dma_wait3A_101 : memref<!tpu.dma_semaphore, #tpu.memory_space<semaphore_mem>>) src(%dma_wait3A_107 : memref<16x1024xf32, #tpu.memory_space<vmem>>) dst(%dma_wait3A_103 : memref<16x1024xf32, #tpu.memory_space<hbm>>)
    %add3A_108 = arith.constant 0 : i32
    %add3A_109 = arith.addi %mul3A_2, %add3A_108 : i32
    %dma_wait3A_110 = arith.constant 2 : i32
    %dma_wait3A_111 = arith.constant 2 : i32
    %dma_wait3A_112 = arith.constant 0 : i32
    %dma_wait3A_113 = arith.constant 0 : i32
    %dma_wait3A_114 = tpu.memref_slice %arg8[%dma_wait3A_110, %dma_wait3A_112, %dma_wait3A_113] : memref<3x16x1024xf32, #tpu.memory_space<vmem>> -> memref<1x16x1024xf32, #tpu.memory_space<vmem>>
    %dma_wait3A_115 = tpu.memref_squeeze %dma_wait3A_114 : memref<1x16x1024xf32, #tpu.memory_space<vmem>> -> memref<16x1024xf32, #tpu.memory_space<vmem>>
    %dma_wait3A_116 = arith.constant 0 : i32
    %dma_wait3A_117 = tpu.memref_slice %arg5[%add3A_109, %dma_wait3A_116] : memref<32768x1024xf32, #tpu.memory_space<hbm>> -> memref<16x1024xf32, #tpu.memory_space<hbm>>
    %dma_wait3A_118 = tpu.memref_slice %arg11[%dma_wait3A_111] : memref<3x!tpu.dma_semaphore, #tpu.memory_space<semaphore_mem>> -> memref<1x!tpu.dma_semaphore, #tpu.memory_space<semaphore_mem>>
    %dma_wait3A_119 = tpu.memref_squeeze %dma_wait3A_118 : memref<1x!tpu.dma_semaphore, #tpu.memory_space<semaphore_mem>> -> memref<!tpu.dma_semaphore, #tpu.memory_space<semaphore_mem>>
    %dma_wait3A_120 = arith.constant 0 : i32
    %dma_wait3A_121 = tpu.memref_slice %arg5[%add3A_109, %dma_wait3A_120] : memref<32768x1024xf32, #tpu.memory_space<hbm>> -> memref<16x1024xf32, #tpu.memory_space<hbm>>
    %dma_wait3A_122 = arith.constant 0 : i32
    %dma_wait3A_123 = arith.constant 0 : i32
    %dma_wait3A_124 = tpu.memref_slice %arg8[%dma_wait3A_110, %dma_wait3A_122, %dma_wait3A_123] : memref<3x16x1024xf32, #tpu.memory_space<vmem>> -> memref<1x16x1024xf32, #tpu.memory_space<vmem>>
    %dma_wait3A_125 = tpu.memref_squeeze %dma_wait3A_124 : memref<1x16x1024xf32, #tpu.memory_space<vmem>> -> memref<16x1024xf32, #tpu.memory_space<vmem>>
    tpu.wait_dma2 semaphore(%dma_wait3A_119 : memref<!tpu.dma_semaphore, #tpu.memory_space<semaphore_mem>>) src(%dma_wait3A_125 : memref<16x1024xf32, #tpu.memory_space<vmem>>) dst(%dma_wait3A_121 : memref<16x1024xf32, #tpu.memory_space<hbm>>)
    return
  }
}

</mosaic_0001>

<sc_bundles>
// kernel: kernel.3.cloned.1.call-start
scs
__scs_entry_jumppad:
0x0: {  	(pc) =	sbr.rel $0x88, $3  }
0x1: {  	(tag) =	ssettag $0x0;
	lr =	simm.s32 $0x1  }
0x2: {  	[smem:$0x3F9E] =	sst lr;
	_ =	strace $0xD0000000  }
0x3: {  	_ = 	snop  }
0x4: {  	_ = 	snop  }
0x5: {  	_ = 	snop  }
0x6: {  	_ = 	snop  }
0x7: {  	_ = 	snop  }
__scs_overlays_trampoline_lowered:
0x8: {  	[smem:$0x3FAD] =	sst s0  }
0x9: {  	[smem:$0x3FAE] =	sst s1  }
0xa: {  	[smem:$0x3FAF] =	sst s2  }
0xb: {  	[smem:$0x3FB0] =	sst s3  }
0xc: {  	[smem:$0x3FB1] =	sst s4  }
0xd: {  	[smem:$0x3FB2] =	sst s5  }
0xe: {  	[smem:$0x3FB3] =	sst s6  }
0xf: {  	[smem:$0x3FB4] =	sst s7  }
0x10: {  	[smem:$0x3FB5] =	sst s8  }
0x11: {  	[smem:$0x3FB6] =	sst s9;
	s0 =	simm.s32 @!p0 $0x0  }
0x12: {  	s1 =	sld [smem:$0x3F9C];
	s0 =	simm.s32 @p0 $0x1  }
0x13: {  	[smem:$0x3FB7] =	sst s0;
	s0 =	simm.s32 @!p1 $0x0  }
0x14: {  	s2 =	sld [smem:$0x3F9B];
	s0 =	simm.s32 @p1 $0x1  }
0x15: {  	[smem:$0x3FB8] =	sst s0;
	s0 =	simm.s32 @!p2 $0x0  }
0x16: {  	s3 =	sld [smem:$0x3FDB];
	s0 =	simm.s32 @p2 $0x1  }
0x17: {  	s4 =	simm.s32 $0x1BF5;
	[smem:$0x3FBA] =	sst s0  }
0x18: {  	s0 =	sld [smem:$0x3F9D];
	_ =	swait.ge [sflag:s4], $0x0  }
0x19: {  	s7 =	sld [smem:$0x3F9E]  }
0x1a: {  	s8 =	sadd.s32 $0xFFFFE003, lr  }
0x1b: {  	s9 =	sadd.s32 $0xFFFFFEF7, lr;
	s5 =	simm.s32 $0xFFFFFFFF;
	p2 =	slt.u32 s8, $0xFFFFF086  }
0x1c: {  	p1 =	slt.u32 s9, $0xF7A;
	s5 =	simm.s32 @!p2 $0x0  }
0x1d: {  	s5 =	simm.s32 @p1 $0x1;
	p0 =	seq.s32 s7, s2  }
0x1e: {  	s7 =	smul.u32 @!p0 $0xF7A, s2;
	p2 =	seq.s32 @!p0 s5, $0x0  }
0x1f: {  	s9 =	smul.u32 $0xF7A, s1;
	s8 =	simm.s32 @!p0 $0x1BF5;
	p2 =	por !p2, p0  }
0x20: {  	[sflag:s8] =	ssyncset.s32 @!p0 $0xFFFFF086;
	s6 =	sadd.s32 @!p0 s3, s7;
	s7 =	simm.s32 @!p0 $0x108  }
0x21: {  	s3 =	sadd.s32 s3, s9;
	s6 =	sadd.s32 @!p0 $0x88, s6;
	s7 =	simm.s32 @p2 $0x1082  }
0x22: {  	[simem:s7], [sflag:s8] =	dma.local @!p0 [hbm:s6], $0xF7A  }
0x23: {  	s9 =	sor.u32 $0xD0000000, s2;
	s6 =	simm.s32 $0x108;
	_ =	swait.ge @!p0 [sflag:s8], $0x0  }
0x24: {  	s3 =	sadd.s32 $0x88, s3;
	s6 =	simm.s32 @!p1 $0x1082;
	[sflag:s4] =	ssyncset.s32 $0xFFFFF086  }
0x25: {  	[simem:s6], [sflag:s4] =	dma.local [hbm:s3], $0xF7A  }
0x26: {  	[smem:$0x3F9E] =	sst s1;
	(tag) =	ssettag s2;
	_ =	strace s9  }
0x27: {  	s1 =	sld [smem:$0x3FAE]  }
0x28: {  	s2 =	sld [smem:$0x3FAF]  }
0x29: {  	s4 =	sld [smem:$0x3FB1]  }
0x2a: {  	p0 =	seq.s32 s5, $0x0;
	s5 =	sld [smem:$0x3FB2]  }
0x2b: {  	s6 =	sld [smem:$0x3FB3]  }
0x2c: {  	s7 =	sld [smem:$0x3FB4]  }
0x2d: {  	s3 =	simm.s32 $0x108;
	s8 =	sld [smem:$0x3FB5]  }
0x2e: {  	s3 =	simm.s32 @!p0 $0x1082;
	s9 =	sld [smem:$0x3FB6]  }
0x2f: {  	lr =	sadd.s32 s0, s3;
	s0 =	sld [smem:$0x3FAD]  }
0x30: {  	s3 =	sld [smem:$0x3FB0]  }
0x31: {  	[smem:$0x3FB9] =	sst s10  }
0x32: {  	s10 =	sld [smem:$0x3FB7];
	_ =	sdelay $0x3  }
0x33: {  	p0 =	seq.s32 s10, $0x1;
	s10 =	sld [smem:$0x3FB9];
	_ =	sdelay $0x3  }
0x34: {  	[smem:$0x3FB9] =	sst s10  }
0x35: {  	s10 =	sld [smem:$0x3FB8];
	_ =	sdelay $0x3  }
0x36: {  	p1 =	seq.s32 s10, $0x1;
	s10 =	sld [smem:$0x3FB9];
	_ =	sdelay $0x3  }
0x37: {  	[smem:$0x3FB9] =	sst s10  }
0x38: {  	s10 =	sld [smem:$0x3FBA]  }
0x39: {  	_ = 	snop;
	(pc) =	sbr.ind lr, $3  }
0x3a: {  	_ = 	snop  }
0x3b: {  	_ = 	snop  }
0x3c: {  	p2 =	seq.s32 s10, $0x1;
	s10 =	sld [smem:$0x3FB9]  }
0x3d: {  	_ =	shalt  }
0x3e: {  	_ =	shalt  }
0x3f: {  	_ =	shalt  }
0x40: {  	_ =	shalt  }
0x41: {  	_ =	shalt  }
0x42: {  	_ =	shalt  }
0x43: {  	_ =	shalt  }
0x44: {  	_ =	shalt  }
0x45: {  	_ =	shalt  }
0x46: {  	_ =	shalt  }
0x47: {  	_ =	shalt  }
0x48: {  	_ =	shalt  }
0x49: {  	_ =	shalt  }
0x4a: {  	_ =	shalt  }
0x4b: {  	_ =	shalt  }
0x4c: {  	_ =	shalt  }
0x4d: {  	_ =	shalt  }
0x4e: {  	_ =	shalt  }
0x4f: {  	_ =	shalt  }
0x50: {  	_ =	shalt  }
0x51: {  	_ =	shalt  }
0x52: {  	_ =	shalt  }
0x53: {  	_ =	shalt  }
0x54: {  	_ =	shalt  }
0x55: {  	_ =	shalt  }
0x56: {  	_ =	shalt  }
0x57: {  	_ =	shalt  }
0x58: {  	_ =	shalt  }
0x59: {  	_ =	shalt  }
0x5a: {  	_ =	shalt  }
0x5b: {  	_ =	shalt  }
0x5c: {  	_ =	shalt  }
0x5d: {  	_ =	shalt  }
0x5e: {  	_ =	shalt  }
0x5f: {  	_ =	shalt  }
0x60: {  	_ =	shalt  }
0x61: {  	_ =	shalt  }
0x62: {  	_ =	shalt  }
0x63: {  	_ =	shalt  }
0x64: {  	_ =	shalt  }
0x65: {  	_ =	shalt  }
0x66: {  	_ =	shalt  }
0x67: {  	_ =	shalt  }
0x68: {  	_ =	shalt  }
0x69: {  	_ =	shalt  }
0x6a: {  	_ =	shalt  }
0x6b: {  	_ =	shalt  }
0x6c: {  	_ =	shalt  }
0x6d: {  	_ =	shalt  }
0x6e: {  	_ =	shalt  }
0x6f: {  	_ =	shalt  }
0x70: {  	_ =	shalt  }
0x71: {  	_ =	shalt  }
0x72: {  	_ =	shalt  }
0x73: {  	_ =	shalt  }
0x74: {  	_ =	shalt  }
0x75: {  	_ =	shalt  }
0x76: {  	_ =	shalt  }
0x77: {  	_ =	shalt  }
0x78: {  	_ =	shalt  }
0x79: {  	_ =	shalt  }
0x7a: {  	_ =	shalt  }
0x7b: {  	_ =	shalt  }
0x7c: {  	_ =	shalt  }
0x7d: {  	_ =	shalt  }
0x7e: {  	_ =	shalt  }
0x7f: {  	_ =	shalt  }
0x80: {  	_ =	shalt  }
0x81: {  	_ =	shalt  }
0x82: {  	_ =	shalt  }
0x83: {  	_ =	shalt  }
0x84: {  	_ =	shalt  }
0x85: {  	_ =	shalt  }
0x86: {  	_ =	shalt  }
0x87: {  	_ =	shalt  }
.Lfunc_end0:
.L_simem_size_0:
called_computation_lowered:
.L_overlay_start_0:
0x88: {  	s2 =	sld [smem:$0x3FD9]  }
0x89: {  	s3 =	sld [smem:$0x3FFE];
	_ =	sdelay $0x1  }
0x8a: {  	s1 =	srdreg.scid  }
0x8b: {  	s0 =	sand.u32 $0x1, s1  }
0x8c: {  	s17 =	sshll.u32 s0, $0xA;
	s2 =	sadd.s32 s3, s2  }
0x8d: {  	s2 =	sadd.s32 s2, s17  }
0x8e: {  	[smem:$0x3FC5] =	sst s2  }
0x8f: {  	_ = 	snop  }
0x90: {  	s2 =	sld [smem:$0x3FC9]  }
0x91: {  	s18 =	sld [smem:$0x3FC7]  }
0x92: {  	s4 =	sld [smem:$0x3FD0];
	(tm) =	ssettm $0x1  }
0x93: {  	s5 =	sld [smem:$0x3FFB];
	_ =	sdelay $0x3  }
0x94: {  	_ =	strace s5  }
0x95: {  	s5 =	sld [smem:$0x3FFC];
	_ =	sdelay $0x3  }
0x96: {  	_ =	strace s5  }
0x97: {  	s5 =	sld [smem:$0x3FFD];
	_ =	sdelay $0x3  }
0x98: {  	_ =	strace s5  }
0x99: {  	_ =	strace $0x8FFFFFFF  }
0x9a: {  	s19 =	sld [smem:$0x3FDB];
	_ =	sdelay $0x1  }
0x9b: {  	s6 =	simm.s32 $_scs_section_size  }
0x9c: {  	s7 =	simm.s32 $_size__tile_overlayer_lowered;
	s8 =	simm.s32 $_tile_overlayer_lowered  }
0x9d: {  	s22 =	simm.s32 $0x1BFF;
	s21 =	sshll.u32 s8, $0x1;
	s5 =	sadd.s32 s6, s19  }
0x9e: {  	s9 =	simm.s32 $0x0;
	s20 =	sshll.u32 s7, $0x1;
	s7 =	sadd.s32 s21, s5  }
0x9f: {  	[timem:s9], [sflag:s22] =	dma.local [hbm:s7], s20  }
0xa0: {  	_ =	swait.ge [sflag:s22], s20  }
0xa1: {  	s6 =	ssub.s32 $0x0, s20;
	[sflag:s22] =	ssyncset.done $0x0  }
0xa2: {  	[sflag:s22] =	ssyncadd.s32 s6;
	_ =	sdelay $0x1  }
0xa3: {  	s23 =	simm.s32 $0x1B8B  }
0xa4: {  	_ =	swait.ge [sflag:s23], $0x1  }
0xa5: {  	[sflag:s23] =	ssyncset.done $0x0  }
0xa6: {  	s25 =	simm.s32 $0x1B8E;
	s24 =	sld [smem:$0x3FFE];
	[sflag:s23] =	ssyncadd.s32 $0xFFFFFFFF  }
0xa7: {  	s26 =	simm.s32 $execute0_lowered;
	[smem:$0x3FD2] =	sst s25  }
0xa8: {  	s7 =	sshll.u32 s26, $0x1;
	_ =	strace $0x80000046;
	[dreg:$0x1] =	wrdreg $0xFFFFFFFF  }
0xa9: {  	s28 =	simm.s32 $_size_execute0_lowered;
	s5 =	sadd.s32 s5, s7;
	[dreg:$0x0] =	wrdreg $0x0  }
0xaa: {  	s7 =	sshll.u32 s28, $0x1;
	[dreg:$0x2] =	wrdreg s5  }
0xab: {  	[dreg:$0x3] =	wrdreg s7  }
0xac: {  	[dreg:$0x4] =	wrdreg $0xC0  }
0xad: {  	_ =	task [dreg:s9], $0x5FFFF  }
0xae: {  	[dreg:$0x1] =	wrdreg $0xFFFFFFFF  }
0xaf: {  	[dreg:$0x0] =	wrdreg $0x60  }
0xb0: {  	[dreg:$0x2] =	wrdreg s2  }
0xb1: {  	[dreg:$0x3] =	wrdreg s24  }
0xb2: {  	[dreg:$0x4] =	wrdreg s18  }
0xb3: {  	[dreg:$0x5] =	wrdreg s4  }
0xb4: {  	[dreg:$0x6] =	wrdreg $0x9  }
0xb5: {  	_ =	task.clear_ibuf [dreg:s9], $0x7FFFF;
	_ =	strace $0x90000046  }
0xb6: {  	s29 =	simm.s32 $0x9;
	_ =	strace $0x80000048  }
0xb7: {  	_ =	swait.ge [sflag:s29], $0x1  }
0xb8: {  	[sflag:s29] =	ssyncadd.s32 $0xFFFFFFFF  }
0xb9: {  	_ =	strace $0x90000048  }
0xba: {  	_ =	sfence  }
0xbb: {  	s30 =	sld [smem:$0x0];
	_ =	sdelay $0x2  }
0xbc: {  	s31 =	sshll.u32 s1, $0xD;
	s1 =	sshrl.u32 s1, $0x2  }
0xbd: {  	s3 =	sand.u32 $0x4000, s31;
	s1 =	sadd.s32 s1, s30  }
0xbe: {  	s0 =	sor.u32 s3, s0;
	s1 =	sshll.u32 s1, $0x11  }
0xbf: {  	s0 =	sor.u32 s1, s0  }
0xc0: {  	s0 =	sadd.s32 $0x8F2B, s0  }
0xc1: {  	[sflag:s0] =	ssyncadd.remote.s32 $0x1  }
0xc2: {  	_ =	sfence.sel $0xFFFF  }
0xc3: {  	[dreg:$0x0] =	wrdreg $0xFFFFFFFF;
	(pc) =	sbr.abs _section_cstart, $3  }
0xc4: {  	[dreg:$0x1] =	wrdreg $0xFFFFFFFF  }
0xc5: {  	_ =	task.clear_ibuf [dreg:s9], $0x2FFFF;
	_ =	strace $0x9FFFFFFF  }
0xc6: {  	(tm) =	ssettm $0x7FFFFFFF  }
0xc7: {  	_ =	shalt  }
tec
execute0_lowered:
.L_overlay_start_1:
0x0: {  	(tag) =	ssettag $0x1  }
0x1: {  	s0 =	rddreg [dreg:$0x0]  }
0x2: {  	s1 =	rddreg [dreg:$0x1]  }
0x3: {  	s2 =	rddreg [dreg:$0x2];
	s3 =	srdreg.scid  }
0x4: {  	s5 =	stileid.u32;
	s10 =	rddreg [dreg:$0x3]  }
0x5: {  	s28 =	simm.s32 $0x8800;
	s29 =	simm.s32 $0x9000;
	s30 =	simm.s32 $0x9800  }
0x6: {  	s31 =	simm.s32 $0x12000;
	s13 =	simm.s32 $0x9;
	s14 =	simm.s32 $0x0  }
0x7: {  	s4 =	sand.u32 $0x1, s3;
	s5 =	sshll.u32 s5, $0x1;
	s3 =	simm.s32 $0x0  }
0x8: {  	s8 =	sadd.s32 $0x300, s2;
	s5 =	sor.u32 s4, s5;
	[smem:$0x7FF] =	sst s3  }
0x9: {  	s4 =	ssub.s32 $0x2, s4;
	s6 =	sshll.u32 s5, $0xA;
	_ =	strace $0x80000047  }
0xa: {  	s26 =	sshrl.u32 s4, $0x1;
	s12 =	sshll.u32 s5, $0x11;
	s5 =	sadd.s32 $0x100, s2  }
0xb: {  	v2 =	vlaneseq.u32;
	s1 =	sadd.s32 s6, s1;
	s11 =	ssub.s32 s4, s26;
	s6 =	sadd.s32 $0x200, s2  }
0xc: {  	v0 =	vand.u32 $0x7, v2;
	s7 =	sadd.s32 s0, s12;
	s10 =	sadd.s32 s10, s12;
	s12 =	simm.s32 $0xA  }
0xd: {  	v1 =	vshrl.u32 v2, $0x3;
	[tilespmem:$0x1FFE0] =	vst v0;
	v0 =	vor.u32 $0x8, v2;
	s26 =	simm.s32 $0x8000;
	s0 =	simm.s32 $0x8;
	s4 =	sadd.s32 $0x400, s1  }
0xe: {  	vm0 =	vmmov $0xffff;
	v1 =	vmul.u32 $0x8, v1;
	[tilespmem:$0x1FFF0] =	vst v0;
	s9 =	sadd.s32 $0x800, s7;
	s11 =	smax.u32 s11, $0x1;
	s1 =	simm.s32 $0x7  }
.LBB2_1:
0xf: {  	[tilespmem:s3], [sflag:$0xA] =	stream.linear.gather [hbm4b:s4+s3], $0x2000, $0x38;
	[tilespmem:$0x1A000] =	vst v63  }
0x10: {  	_ =	swait.ge [sflag:s12], $0x2000  }
0x11: {  	[sflag:s12] =	ssyncset.done $0x0  }
0x12: {  	[sflag:s12] =	ssyncadd.s32 $0xFFFFE000  }
0x13: {  	v3 =	vld [tilespmem:$0x0];
	_ =	sdelay $0x2  }
0x14: {  	v0 =	vld [tilespmem:$0x1FFE0];
	_ =	sdelay $0x1  }
0x15: {  	v4 =	vshll.u32 v3, $0x3  }
0x16: {  	v3 =	vand.u32 $0x7, v3;
	v4 =	vand.u32 $0xFFFFFFC0, v4  }
0x17: {  	v3 =	vor.u32 v3, v4  }
0x18: {  	v4 =	vperm.xlane v3, v0;
	_ =	sdelay $0x1  }
0x19: {  	v4 =	vadd.s32 v1, v4  }
0x1a: {  	v2 =	vld [tilespmem:$0x1FFF0];
	_ =	sdelay $0x2  }
0x1b: {  	s15 =	simm.s32 $0x2000  }
0x1c: {  	[tilespmem:s15], [sflag:$0x1] =	stream.indirect_vreg.gather [hbm4b:s2+s3], $0x80, v4, vm0, $0xb8;
	[tilespmem:$0x1A000] =	vst v63  }
0x1d: {  	s24 =	simm.s32 $0x2800;
	v3 =	vperm.xlane v3, v2  }
0x1e: {  	[tilespmem:s24], [sflag:$0x1] =	stream.indirect_vreg.gather [hbm4b:s5+s3], $0x80, v4, vm0, $0xb8;
	[tilespmem:$0x1A000] =	vst v63  }
0x1f: {  	s25 =	simm.s32 $0x3000;
	v3 =	vadd.s32 v1, v3  }
0x20: {  	[tilespmem:s25], [sflag:$0x1] =	stream.indirect_vreg.gather [hbm4b:s6+s3], $0x80, v4, vm0, $0xb8;
	[tilespmem:$0x1A000] =	vst v63  }
0x21: {  	s16 =	simm.s32 $0x3800  }
0x22: {  	[tilespmem:s16], [sflag:$0x1] =	stream.indirect_vreg.gather [hbm4b:s8+s3], $0x80, v4, vm0, $0xb8;
	[tilespmem:$0x1A000] =	vst v63  }
0x23: {  	s17 =	simm.s32 $0x4000  }
0x24: {  	[tilespmem:s17], [sflag:$0x1] =	stream.indirect_vreg.gather [hbm4b:s2+s3], $0x80, v3, vm0, $0xb8;
	[tilespmem:$0x1A000] =	vst v63  }
0x25: {  	s18 =	simm.s32 $0x4800  }
0x26: {  	[tilespmem:s18], [sflag:$0x1] =	stream.indirect_vreg.gather [hbm4b:s5+s3], $0x80, v3, vm0, $0xb8;
	[tilespmem:$0x1A000] =	vst v63  }
0x27: {  	s19 =	simm.s32 $0x5000  }
0x28: {  	[tilespmem:s19], [sflag:$0x1] =	stream.indirect_vreg.gather [hbm4b:s6+s3], $0x80, v3, vm0, $0xb8;
	[tilespmem:$0x1A000] =	vst v63  }
0x29: {  	s20 =	simm.s32 $0x5800  }
0x2a: {  	[tilespmem:s20], [sflag:$0x1] =	stream.indirect_vreg.gather [hbm4b:s8+s3], $0x80, v3, vm0, $0xb8;
	[tilespmem:$0x1A000] =	vst v63  }
0x2b: {  	s21 =	simm.s32 $0xE000  }
0x2c: {  	[tilespmem:s21], [sflag:$0x4] =	stream.linear.gather [hbm4b:s7+s3], $0x4000, $0x38;
	[tilespmem:$0x1A000] =	vst v63  }
0x2d: {  	v3 =	vld [tilespmem:$0x80];
	_ =	sdelay $0x4  }
0x2e: {  	v63 =	vshll.u32 v3, $0x3  }
0x2f: {  	v3 =	vand.u32 $0x7, v3;
	v4 =	vand.u32 $0xFFFFFFC0, v63  }
0x30: {  	v3 =	vor.u32 v3, v4  }
0x31: {  	v4 =	vperm.xlane v3, v0;
	_ =	sdelay $0x1  }
0x32: {  	v4 =	vadd.s32 v1, v4;
	_ =	sdelay $0x3  }
0x33: {  	s22 =	simm.s32 $0x6000  }
0x34: {  	[tilespmem:s22], [sflag:$0x2] =	stream.indirect_vreg.gather [hbm4b:s2+s3], $0x80, v4, vm0, $0xb8;
	[tilespmem:$0x1A000] =	vst v63  }
0x35: {  	s23 =	simm.s32 $0x6800;
	v3 =	vperm.xlane v3, v2  }
0x36: {  	[tilespmem:s23], [sflag:$0x2] =	stream.indirect_vreg.gather [hbm4b:s5+s3], $0x80, v4, vm0, $0xb8;
	[tilespmem:$0x1A000] =	vst v63  }
0x37: {  	s24 =	simm.s32 $0x7000;
	v3 =	vadd.s32 v1, v3  }
0x38: {  	[tilespmem:s24], [sflag:$0x2] =	stream.indirect_vreg.gather [hbm4b:s6+s3], $0x80, v4, vm0, $0xb8;
	[tilespmem:$0x1A000] =	vst v63  }
0x39: {  	s25 =	simm.s32 $0x7800  }
0x3a: {  	[tilespmem:s25], [sflag:$0x2] =	stream.indirect_vreg.gather [hbm4b:s8+s3], $0x80, v4, vm0, $0xb8;
	[tilespmem:$0x1A000] =	vst v63  }
0x3b: {  	_ = 	snop  }
0x3c: {  	[tilespmem:s26], [sflag:$0x2] =	stream.indirect_vreg.gather [hbm4b:s2+s3], $0x80, v3, vm0, $0xb8;
	[tilespmem:$0x1A000] =	vst v63  }
0x3d: {  	_ = 	snop  }
0x3e: {  	[tilespmem:s28], [sflag:$0x2] =	stream.indirect_vreg.gather [hbm4b:s5+s3], $0x80, v3, vm0, $0xb8;
	[tilespmem:$0x1A000] =	vst v63  }
0x3f: {  	_ = 	snop  }
0x40: {  	[tilespmem:s29], [sflag:$0x2] =	stream.indirect_vreg.gather [hbm4b:s6+s3], $0x80, v3, vm0, $0xb8;
	[tilespmem:$0x1A000] =	vst v63  }
0x41: {  	_ = 	snop  }
0x42: {  	[tilespmem:s30], [sflag:$0x2] =	stream.indirect_vreg.gather [hbm4b:s8+s3], $0x80, v3, vm0, $0xb8;
	[tilespmem:$0x1A000] =	vst v63  }
0x43: {  	s15 =	simm.s32 $0x0  }
0x44: {  	[tilespmem:s31], [sflag:$0x5] =	stream.linear.gather [hbm4b:s9+s3], $0x4000, $0x38;
	[tilespmem:$0x1A000] =	vst v63  }
.LBB2_2:
0x45: {  	s16 =	sadd.s32 $0x2, s15;
	p0 =	sgt.u32 s15, $0x3D  }
0x46: {  	s17 =	sshll.u32 @!p0 s16, $0x7  }
0x47: {  	s17 =	sand.u32 @!p0 $0x3FFFFF80, s17  }
0x48: {  	v3 =	vld @!p0 [tilespmem:s17+$0x0];
	_ =	sdelay $0x3  }
0x49: {  	s19 =	smul.u32 $0xAB, s15  }
0x4a: {  	v4 =	vshll.u32 @!p0 v3, $0x3  }
0x4b: {  	v5 =	vlaneseq.u32 @!p0;
	s23 =	sadd.s32 $0x156, s19;
	v3 =	vand.u32 @!p0 $0x7, v3;
	v4 =	vand.u32 @!p0 $0xFFFFFFC0, v4  }
0x4c: {  	v6 =	vshrl.u32 @!p0 v5, $0x3;
	s17 =	sshrl.u32 s23, $0x9;
	v3 =	vor.u32 @!p0 v3, v4;
	v4 =	vand.u32 @!p0 $0x7, v5  }
0x4d: {  	v6 =	vmul.u32 @!p0 $0x8, v6;
	s17 =	sand.u32 $0x7F, s17;
	v4 =	vperm.xlane @!p0 v3, v4  }
0x4e: {  	s17 =	smul.u32 $0x3, s17  }
0x4f: {  	v4 =	vadd.s32 @!p0 v6, v4  }
0x50: {  	s17 =	ssub.s32 s16, s17  }
0x51: {  	s17 =	sand.u32 $0xFF, s17  }
0x52: {  	s18 =	sshll.u32 @!p0 s17, $0xE  }
0x53: {  	vm1 =	vmmov @!p0 $0xffff;
	s22 =	simm.s32 @!p0 $0x0;
	s21 =	sadd.s32 @!p0 $0x1, s17;
	s20 =	sor.u32 @!p0 $0x2000, s18  }
0x54: {  	v5 =	vor.u32 @!p0 $0x8, v5;
	[tilespmem:s20], [sflag:s21] =	stream.indirect_vreg.gather @!p0 [hbm4b:s2+s22], $0x80, v4, vm1, $0xb8;
	[tilespmem:$0x1A000] =	vst v63  }
0x55: {  	v3 =	vperm.xlane @!p0 v3, v5;
	s20 =	sor.u32 @!p0 $0x2800, s18  }
0x56: {  	[tilespmem:s20], [sflag:s21] =	stream.indirect_vreg.gather @!p0 [hbm4b:s5+s22], $0x80, v4, vm1, $0xb8;
	[tilespmem:$0x1A000] =	vst v63  }
0x57: {  	s19 =	sshrl.u32 s19, $0x9;
	v3 =	vadd.s32 @!p0 v6, v3;
	s20 =	sor.u32 @!p0 $0x3000, s18  }
0x58: {  	[tilespmem:s20], [sflag:s21] =	stream.indirect_vreg.gather @!p0 [hbm4b:s6+s22], $0x80, v4, vm1, $0xb8;
	[tilespmem:$0x1A000] =	vst v63  }
0x59: {  	s19 =	sand.u32 $0x7F, s19;
	s20 =	sor.u32 @!p0 $0x3800, s18  }
0x5a: {  	[tilespmem:s20], [sflag:s21] =	stream.indirect_vreg.gather @!p0 [hbm4b:s8+s22], $0x80, v4, vm1, $0xb8;
	[tilespmem:$0x1A000] =	vst v63  }
0x5b: {  	s19 =	smul.u32 $0x3, s19;
	s20 =	sadd.s32 @!p0 $0x4000, s18  }
0x5c: {  	[tilespmem:s20], [sflag:s21] =	stream.indirect_vreg.gather @!p0 [hbm4b:s2+s22], $0x80, v3, vm1, $0xb8;
	[tilespmem:$0x1A000] =	vst v63  }
0x5d: {  	s19 =	ssub.s32 s15, s19;
	s20 =	sadd.s32 @!p0 $0x4800, s18  }
0x5e: {  	[tilespmem:s20], [sflag:s21] =	stream.indirect_vreg.gather @!p0 [hbm4b:s5+s22], $0x80, v3, vm1, $0xb8;
	[tilespmem:$0x1A000] =	vst v63  }
0x5f: {  	s19 =	sand.u32 $0xFF, s19;
	s20 =	sadd.s32 @!p0 $0x5000, s18  }
0x60: {  	[tilespmem:s20], [sflag:s21] =	stream.indirect_vreg.gather @!p0 [hbm4b:s6+s22], $0x80, v3, vm1, $0xb8;
	[tilespmem:$0x1A000] =	vst v63  }
0x61: {  	s24 =	sadd.s32 $0x1, s19;
	s20 =	sadd.s32 @!p0 $0x5800, s18  }
0x62: {  	[tilespmem:s20], [sflag:s21] =	stream.indirect_vreg.gather @!p0 [hbm4b:s8+s22], $0x80, v3, vm1, $0xb8;
	[tilespmem:$0x1A000] =	vst v63  }
0x63: {  	_ =	swait.ge [sflag:s24], $0x4000  }
0x64: {  	[sflag:s24] =	ssyncset.done $0x0  }
0x65: {  	s23 =	simm.s32 $0x0;
	s25 =	sadd.s32 $0x4, s19;
	[sflag:s24] =	ssyncadd.s32 $0xFFFFC000  }
0x66: {  	s24 =	sand.u32 $0x2000, s23;
	s23 =	sand.u32 $0x380, s23;
	_ =	swait.ge [sflag:s25], $0x4000  }
0x67: {  	s20 =	sshll.u32 s19, $0xE;
	s22 =	sor.u32 s24, s23;
	[sflag:s25] =	ssyncset.done $0x0  }
0x68: {  	s21 =	sor.u32 s20, s22;
	[sflag:s25] =	ssyncadd.s32 $0xFFFFC000  }
0x69: {  	v3 =	vld [tilespmem:s21+$0x3C70]  }
0x6a: {  	v5 =	vld [tilespmem:s21+$0x2000]  }
0x6b: {  	v6 =	vld [tilespmem:s21+$0x2010]  }
0x6c: {  	v7 =	vld [tilespmem:s21+$0x2020]  }
0x6d: {  	v8 =	vld [tilespmem:s21+$0x2030]  }
0x6e: {  	v9 =	vld [tilespmem:s21+$0x2040]  }
0x6f: {  	v10 =	vld [tilespmem:s21+$0x2050]  }
0x70: {  	v11 =	vld [tilespmem:s21+$0x2060]  }
0x71: {  	v12 =	vld [tilespmem:s21+$0x2070]  }
0x72: {  	v13 =	vld [tilespmem:s21+$0x2400]  }
0x73: {  	v14 =	vld [tilespmem:s21+$0x2410]  }
0x74: {  	v15 =	vld [tilespmem:s21+$0x2420]  }
0x75: {  	v16 =	vld [tilespmem:s21+$0x2430]  }
0x76: {  	v17 =	vld [tilespmem:s21+$0x2440]  }
0x77: {  	v18 =	vld [tilespmem:s21+$0x2450]  }
0x78: {  	v19 =	vld [tilespmem:s21+$0x2460]  }
0x79: {  	v20 =	vld [tilespmem:s21+$0x2470]  }
0x7a: {  	v21 =	vld [tilespmem:s21+$0x2800]  }
0x7b: {  	v22 =	vld [tilespmem:s21+$0x2810]  }
0x7c: {  	v23 =	vld [tilespmem:s21+$0x2820]  }
0x7d: {  	v24 =	vld [tilespmem:s21+$0x2830]  }
0x7e: {  	v25 =	vld [tilespmem:s21+$0x2840]  }
0x7f: {  	v26 =	vld [tilespmem:s21+$0x2850]  }
0x80: {  	v27 =	vld [tilespmem:s21+$0x2860]  }
0x81: {  	v28 =	vld [tilespmem:s21+$0x2870]  }
0x82: {  	v29 =	vld [tilespmem:s21+$0x2C00]  }
0x83: {  	v30 =	vld [tilespmem:s21+$0x2C10]  }
0x84: {  	v31 =	vld [tilespmem:s21+$0x2C20]  }
0x85: {  	v32 =	vld [tilespmem:s21+$0x2C30]  }
0x86: {  	v33 =	vld [tilespmem:s21+$0x2C40]  }
0x87: {  	v34 =	vld [tilespmem:s21+$0x2C50]  }
0x88: {  	v35 =	vld [tilespmem:s21+$0x2C60]  }
0x89: {  	v36 =	vld [tilespmem:s21+$0x2C70]  }
0x8a: {  	v37 =	vld [tilespmem:s21+$0x3000]  }
0x8b: {  	v38 =	vld [tilespmem:s21+$0x3010]  }
0x8c: {  	v39 =	vld [tilespmem:s21+$0x3020]  }
0x8d: {  	v40 =	vld [tilespmem:s21+$0x3030]  }
0x8e: {  	v41 =	vld [tilespmem:s21+$0x3040]  }
0x8f: {  	v42 =	vld [tilespmem:s21+$0x3050]  }
0x90: {  	v43 =	vld [tilespmem:s21+$0x3060]  }
0x91: {  	v44 =	vld [tilespmem:s21+$0x3070]  }
0x92: {  	v45 =	vld [tilespmem:s21+$0x3400]  }
0x93: {  	v46 =	vld [tilespmem:s21+$0x3410]  }
0x94: {  	v47 =	vld [tilespmem:s21+$0x3420]  }
0x95: {  	v48 =	vld [tilespmem:s21+$0x3430]  }
0x96: {  	v49 =	vld [tilespmem:s21+$0x3440]  }
0x97: {  	v50 =	vld [tilespmem:s21+$0x3450]  }
0x98: {  	v51 =	vld [tilespmem:s21+$0x3460]  }
0x99: {  	v52 =	vld [tilespmem:s21+$0x3470]  }
0x9a: {  	v53 =	vld [tilespmem:s21+$0x3800]  }
0x9b: {  	v54 =	vld [tilespmem:s21+$0x3810]  }
0x9c: {  	v55 =	vld [tilespmem:s21+$0x3820]  }
0x9d: {  	v56 =	vld [tilespmem:s21+$0x3830]  }
0x9e: {  	v57 =	vld [tilespmem:s21+$0x3840]  }
0x9f: {  	v58 =	vld [tilespmem:s21+$0x3850]  }
0xa0: {  	v59 =	vld [tilespmem:s21+$0x3860]  }
0xa1: {  	v60 =	vld [tilespmem:s21+$0x3870]  }
0xa2: {  	v61 =	vld [tilespmem:s21+$0x3C00]  }
0xa3: {  	v62 =	vld [tilespmem:s21+$0x3C10]  }
0xa4: {  	v63 =	vld [tilespmem:s21+$0x3C20]  }
0xa5: {  	v0 =	vld [tilespmem:s21+$0x3C30]  }
0xa6: {  	v2 =	vld [tilespmem:s21+$0x3C40]  }
0xa7: {  	v4 =	vld [tilespmem:s21+$0x3C50]  }
0xa8: {  	[tilespmem:s21+$0xFC70] =	vst.add.f32.msk $0xffff, v3  }
0xa9: {  	v3 =	vld [tilespmem:s21+$0x3C60]  }
0xaa: {  	[tilespmem:s21+$0xE000] =	vst.add.f32.msk $0xffff, v5  }
0xab: {  	[tilespmem:s21+$0xE010] =	vst.add.f32.msk $0xffff, v6  }
0xac: {  	[tilespmem:s21+$0xE020] =	vst.add.f32.msk $0xffff, v7  }
0xad: {  	[tilespmem:s21+$0xE030] =	vst.add.f32.msk $0xffff, v8  }
0xae: {  	[tilespmem:s21+$0xE040] =	vst.add.f32.msk $0xffff, v9  }
0xaf: {  	[tilespmem:s21+$0xE050] =	vst.add.f32.msk $0xffff, v10  }
0xb0: {  	[tilespmem:s21+$0xE060] =	vst.add.f32.msk $0xffff, v11  }
0xb1: {  	[tilespmem:s21+$0xE070] =	vst.add.f32.msk $0xffff, v12  }
0xb2: {  	[tilespmem:s21+$0xE400] =	vst.add.f32.msk $0xffff, v13  }
0xb3: {  	[tilespmem:s21+$0xE410] =	vst.add.f32.msk $0xffff, v14  }
0xb4: {  	[tilespmem:s21+$0xE420] =	vst.add.f32.msk $0xffff, v15  }
0xb5: {  	[tilespmem:s21+$0xE430] =	vst.add.f32.msk $0xffff, v16  }
0xb6: {  	[tilespmem:s21+$0xE440] =	vst.add.f32.msk $0xffff, v17  }
0xb7: {  	[tilespmem:s21+$0xE450] =	vst.add.f32.msk $0xffff, v18  }
0xb8: {  	[tilespmem:s21+$0xE460] =	vst.add.f32.msk $0xffff, v19  }
0xb9: {  	[tilespmem:s21+$0xE470] =	vst.add.f32.msk $0xffff, v20  }
0xba: {  	[tilespmem:s21+$0xE800] =	vst.add.f32.msk $0xffff, v21  }
0xbb: {  	[tilespmem:s21+$0xE810] =	vst.add.f32.msk $0xffff, v22  }
0xbc: {  	[tilespmem:s21+$0xE820] =	vst.add.f32.msk $0xffff, v23  }
0xbd: {  	[tilespmem:s21+$0xE830] =	vst.add.f32.msk $0xffff, v24  }
0xbe: {  	[tilespmem:s21+$0xE840] =	vst.add.f32.msk $0xffff, v25  }
0xbf: {  	[tilespmem:s21+$0xE850] =	vst.add.f32.msk $0xffff, v26  }
0xc0: {  	[tilespmem:s21+$0xE860] =	vst.add.f32.msk $0xffff, v27  }
0xc1: {  	[tilespmem:s21+$0xE870] =	vst.add.f32.msk $0xffff, v28  }
0xc2: {  	[tilespmem:s21+$0xEC00] =	vst.add.f32.msk $0xffff, v29  }
0xc3: {  	[tilespmem:s21+$0xEC10] =	vst.add.f32.msk $0xffff, v30  }
0xc4: {  	[tilespmem:s21+$0xEC20] =	vst.add.f32.msk $0xffff, v31  }
0xc5: {  	[tilespmem:s21+$0xEC30] =	vst.add.f32.msk $0xffff, v32  }
0xc6: {  	[tilespmem:s21+$0xEC40] =	vst.add.f32.msk $0xffff, v33  }
0xc7: {  	[tilespmem:s21+$0xEC50] =	vst.add.f32.msk $0xffff, v34  }
0xc8: {  	[tilespmem:s21+$0xEC60] =	vst.add.f32.msk $0xffff, v35  }
0xc9: {  	[tilespmem:s21+$0xEC70] =	vst.add.f32.msk $0xffff, v36  }
0xca: {  	[tilespmem:s21+$0xF000] =	vst.add.f32.msk $0xffff, v37  }
0xcb: {  	[tilespmem:s21+$0xF010] =	vst.add.f32.msk $0xffff, v38  }
0xcc: {  	[tilespmem:s21+$0xF020] =	vst.add.f32.msk $0xffff, v39  }
0xcd: {  	[tilespmem:s21+$0xF030] =	vst.add.f32.msk $0xffff, v40  }
0xce: {  	[tilespmem:s21+$0xF040] =	vst.add.f32.msk $0xffff, v41  }
0xcf: {  	[tilespmem:s21+$0xF050] =	vst.add.f32.msk $0xffff, v42  }
0xd0: {  	[tilespmem:s21+$0xF060] =	vst.add.f32.msk $0xffff, v43  }
0xd1: {  	[tilespmem:s21+$0xF070] =	vst.add.f32.msk $0xffff, v44  }
0xd2: {  	[tilespmem:s21+$0xF400] =	vst.add.f32.msk $0xffff, v45  }
0xd3: {  	[tilespmem:s21+$0xF410] =	vst.add.f32.msk $0xffff, v46  }
0xd4: {  	[tilespmem:s21+$0xF420] =	vst.add.f32.msk $0xffff, v47  }
0xd5: {  	[tilespmem:s21+$0xF430] =	vst.add.f32.msk $0xffff, v48  }
0xd6: {  	[tilespmem:s21+$0xF440] =	vst.add.f32.msk $0xffff, v49  }
0xd7: {  	[tilespmem:s21+$0xF450] =	vst.add.f32.msk $0xffff, v50  }
0xd8: {  	[tilespmem:s21+$0xF460] =	vst.add.f32.msk $0xffff, v51  }
0xd9: {  	[tilespmem:s21+$0xF470] =	vst.add.f32.msk $0xffff, v52  }
0xda: {  	[tilespmem:s21+$0xF800] =	vst.add.f32.msk $0xffff, v53  }
0xdb: {  	[tilespmem:s21+$0xF810] =	vst.add.f32.msk $0xffff, v54  }
0xdc: {  	[tilespmem:s21+$0xF820] =	vst.add.f32.msk $0xffff, v55  }
0xdd: {  	[tilespmem:s21+$0xF830] =	vst.add.f32.msk $0xffff, v56  }
0xde: {  	[tilespmem:s21+$0xF840] =	vst.add.f32.msk $0xffff, v57  }
0xdf: {  	[tilespmem:s21+$0xF850] =	vst.add.f32.msk $0xffff, v58  }
0xe0: {  	[tilespmem:s21+$0xF860] =	vst.add.f32.msk $0xffff, v59  }
0xe1: {  	[tilespmem:s21+$0xF870] =	vst.add.f32.msk $0xffff, v60  }
0xe2: {  	[tilespmem:s21+$0xFC00] =	vst.add.f32.msk $0xffff, v61  }
0xe3: {  	[tilespmem:s21+$0xFC10] =	vst.add.f32.msk $0xffff, v62  }
0xe4: {  	[tilespmem:s21+$0xFC20] =	vst.add.f32.msk $0xffff, v63  }
0xe5: {  	s22 =	simm.s32 $0x80;
	s25 =	simm.s32 $0x400;
	[tilespmem:s21+$0xFC30] =	vst.add.f32.msk $0xffff, v0  }
0xe6: {  	s23 =	simm.s32 $0x800;
	s24 =	sand.u32 $0x2000, s25;
	s25 =	sand.u32 $0x380, s22;
	[tilespmem:s21+$0xFC40] =	vst.add.f32.msk $0xffff, v2  }
.LBB2_3:
0xe7: {  	p1 =	sne.s32 s23, $0x3C00;
	s24 =	sor.u32 s24, s25;
	[tilespmem:s21+$0xFC50] =	vst.add.f32.msk $0xffff, v4  }
0xe8: {  	[tilespmem:s21+$0xFC60] =	vst.add.f32.msk $0xffff, v3;
	s21 =	sor.u32 s20, s24  }
0xe9: {  	v0 =	vld [tilespmem:s21+$0x3C70]  }
0xea: {  	v2 =	vld [tilespmem:s21+$0x2000]  }
0xeb: {  	v6 =	vld [tilespmem:s21+$0x2010]  }
0xec: {  	v7 =	vld [tilespmem:s21+$0x2020]  }
0xed: {  	v8 =	vld [tilespmem:s21+$0x2030]  }
0xee: {  	[tilespmem:s21+$0xFC70] =	vst.add.f32.msk $0xffff, v0  }
0xef: {  	v0 =	vld [tilespmem:s21+$0x2040]  }
0xf0: {  	v9 =	vld [tilespmem:s21+$0x2050]  }
0xf1: {  	v10 =	vld [tilespmem:s21+$0x2060]  }
0xf2: {  	v11 =	vld [tilespmem:s21+$0x2070]  }
0xf3: {  	v12 =	vld [tilespmem:s21+$0x2400]  }
0xf4: {  	v13 =	vld [tilespmem:s21+$0x2410]  }
0xf5: {  	v14 =	vld [tilespmem:s21+$0x2420]  }
0xf6: {  	v15 =	vld [tilespmem:s21+$0x2430]  }
0xf7: {  	v16 =	vld [tilespmem:s21+$0x2440]  }
0xf8: {  	v17 =	vld [tilespmem:s21+$0x2450]  }
0xf9: {  	v18 =	vld [tilespmem:s21+$0x2460]  }
0xfa: {  	v19 =	vld [tilespmem:s21+$0x2470]  }
0xfb: {  	v20 =	vld [tilespmem:s21+$0x2800]  }
0xfc: {  	v21 =	vld [tilespmem:s21+$0x2810]  }
0xfd: {  	v22 =	vld [tilespmem:s21+$0x2820]  }
0xfe: {  	v23 =	vld [tilespmem:s21+$0x2830]  }
0xff: {  	v24 =	vld [tilespmem:s21+$0x2840]  }
0x100: {  	v25 =	vld [tilespmem:s21+$0x2850]  }
0x101: {  	v26 =	vld [tilespmem:s21+$0x2860]  }
0x102: {  	v27 =	vld [tilespmem:s21+$0x2870]  }
0x103: {  	v28 =	vld [tilespmem:s21+$0x2C00]  }
0x104: {  	v29 =	vld [tilespmem:s21+$0x2C10]  }
0x105: {  	v30 =	vld [tilespmem:s21+$0x2C20]  }
0x106: {  	v31 =	vld [tilespmem:s21+$0x2C30]  }
0x107: {  	v32 =	vld [tilespmem:s21+$0x2C40]  }
0x108: {  	v33 =	vld [tilespmem:s21+$0x2C50]  }
0x109: {  	v34 =	vld [tilespmem:s21+$0x2C60]  }
0x10a: {  	v35 =	vld [tilespmem:s21+$0x2C70]  }
0x10b: {  	v36 =	vld [tilespmem:s21+$0x3000]  }
0x10c: {  	v37 =	vld [tilespmem:s21+$0x3010]  }
0x10d: {  	v38 =	vld [tilespmem:s21+$0x3020]  }
0x10e: {  	v39 =	vld [tilespmem:s21+$0x3030]  }
0x10f: {  	v40 =	vld [tilespmem:s21+$0x3040]  }
0x110: {  	v41 =	vld [tilespmem:s21+$0x3050]  }
0x111: {  	v42 =	vld [tilespmem:s21+$0x3060]  }
0x112: {  	v43 =	vld [tilespmem:s21+$0x3070]  }
0x113: {  	v44 =	vld [tilespmem:s21+$0x3400]  }
0x114: {  	v45 =	vld [tilespmem:s21+$0x3410]  }
0x115: {  	v46 =	vld [tilespmem:s21+$0x3420]  }
0x116: {  	v47 =	vld [tilespmem:s21+$0x3430]  }
0x117: {  	v48 =	vld [tilespmem:s21+$0x3440]  }
0x118: {  	v49 =	vld [tilespmem:s21+$0x3450]  }
0x119: {  	v50 =	vld [tilespmem:s21+$0x3460]  }
0x11a: {  	v51 =	vld [tilespmem:s21+$0x3470]  }
0x11b: {  	v52 =	vld [tilespmem:s21+$0x3800]  }
0x11c: {  	v53 =	vld [tilespmem:s21+$0x3810]  }
0x11d: {  	v54 =	vld [tilespmem:s21+$0x3820]  }
0x11e: {  	v55 =	vld [tilespmem:s21+$0x3830]  }
0x11f: {  	v56 =	vld [tilespmem:s21+$0x3840]  }
0x120: {  	v57 =	vld [tilespmem:s21+$0x3850]  }
0x121: {  	v58 =	vld [tilespmem:s21+$0x3860]  }
0x122: {  	v59 =	vld [tilespmem:s21+$0x3870]  }
0x123: {  	v60 =	vld [tilespmem:s21+$0x3C00]  }
0x124: {  	v61 =	vld [tilespmem:s21+$0x3C10]  }
0x125: {  	v62 =	vld [tilespmem:s21+$0x3C20]  }
0x126: {  	v63 =	vld [tilespmem:s21+$0x3C30]  }
0x127: {  	v5 =	vld [tilespmem:s21+$0x3C40]  }
0x128: {  	v4 =	vld [tilespmem:s21+$0x3C50]  }
0x129: {  	v3 =	vld [tilespmem:s21+$0x3C60]  }
0x12a: {  	[tilespmem:s21+$0xE000] =	vst.add.f32.msk $0xffff, v2  }
0x12b: {  	[tilespmem:s21+$0xE010] =	vst.add.f32.msk $0xffff, v6  }
0x12c: {  	[tilespmem:s21+$0xE020] =	vst.add.f32.msk $0xffff, v7  }
0x12d: {  	[tilespmem:s21+$0xE030] =	vst.add.f32.msk $0xffff, v8  }
0x12e: {  	[tilespmem:s21+$0xE040] =	vst.add.f32.msk $0xffff, v0  }
0x12f: {  	[tilespmem:s21+$0xE050] =	vst.add.f32.msk $0xffff, v9  }
0x130: {  	[tilespmem:s21+$0xE060] =	vst.add.f32.msk $0xffff, v10  }
0x131: {  	[tilespmem:s21+$0xE070] =	vst.add.f32.msk $0xffff, v11  }
0x132: {  	[tilespmem:s21+$0xE400] =	vst.add.f32.msk $0xffff, v12  }
0x133: {  	[tilespmem:s21+$0xE410] =	vst.add.f32.msk $0xffff, v13  }
0x134: {  	[tilespmem:s21+$0xE420] =	vst.add.f32.msk $0xffff, v14  }
0x135: {  	[tilespmem:s21+$0xE430] =	vst.add.f32.msk $0xffff, v15  }
0x136: {  	[tilespmem:s21+$0xE440] =	vst.add.f32.msk $0xffff, v16  }
0x137: {  	[tilespmem:s21+$0xE450] =	vst.add.f32.msk $0xffff, v17  }
0x138: {  	[tilespmem:s21+$0xE460] =	vst.add.f32.msk $0xffff, v18  }
0x139: {  	[tilespmem:s21+$0xE470] =	vst.add.f32.msk $0xffff, v19  }
0x13a: {  	[tilespmem:s21+$0xE800] =	vst.add.f32.msk $0xffff, v20  }
0x13b: {  	[tilespmem:s21+$0xE810] =	vst.add.f32.msk $0xffff, v21  }
0x13c: {  	[tilespmem:s21+$0xE820] =	vst.add.f32.msk $0xffff, v22  }
0x13d: {  	[tilespmem:s21+$0xE830] =	vst.add.f32.msk $0xffff, v23  }
0x13e: {  	[tilespmem:s21+$0xE840] =	vst.add.f32.msk $0xffff, v24  }
0x13f: {  	[tilespmem:s21+$0xE850] =	vst.add.f32.msk $0xffff, v25  }
0x140: {  	[tilespmem:s21+$0xE860] =	vst.add.f32.msk $0xffff, v26  }
0x141: {  	[tilespmem:s21+$0xE870] =	vst.add.f32.msk $0xffff, v27  }
0x142: {  	[tilespmem:s21+$0xEC00] =	vst.add.f32.msk $0xffff, v28  }
0x143: {  	[tilespmem:s21+$0xEC10] =	vst.add.f32.msk $0xffff, v29  }
0x144: {  	[tilespmem:s21+$0xEC20] =	vst.add.f32.msk $0xffff, v30  }
0x145: {  	[tilespmem:s21+$0xEC30] =	vst.add.f32.msk $0xffff, v31  }
0x146: {  	[tilespmem:s21+$0xEC40] =	vst.add.f32.msk $0xffff, v32  }
0x147: {  	[tilespmem:s21+$0xEC50] =	vst.add.f32.msk $0xffff, v33  }
0x148: {  	[tilespmem:s21+$0xEC60] =	vst.add.f32.msk $0xffff, v34  }
0x149: {  	[tilespmem:s21+$0xEC70] =	vst.add.f32.msk $0xffff, v35  }
0x14a: {  	[tilespmem:s21+$0xF000] =	vst.add.f32.msk $0xffff, v36  }
0x14b: {  	[tilespmem:s21+$0xF010] =	vst.add.f32.msk $0xffff, v37  }
0x14c: {  	[tilespmem:s21+$0xF020] =	vst.add.f32.msk $0xffff, v38  }
0x14d: {  	[tilespmem:s21+$0xF030] =	vst.add.f32.msk $0xffff, v39  }
0x14e: {  	[tilespmem:s21+$0xF040] =	vst.add.f32.msk $0xffff, v40  }
0x14f: {  	[tilespmem:s21+$0xF050] =	vst.add.f32.msk $0xffff, v41  }
0x150: {  	[tilespmem:s21+$0xF060] =	vst.add.f32.msk $0xffff, v42  }
0x151: {  	[tilespmem:s21+$0xF070] =	vst.add.f32.msk $0xffff, v43  }
0x152: {  	[tilespmem:s21+$0xF400] =	vst.add.f32.msk $0xffff, v44  }
0x153: {  	[tilespmem:s21+$0xF410] =	vst.add.f32.msk $0xffff, v45  }
0x154: {  	[tilespmem:s21+$0xF420] =	vst.add.f32.msk $0xffff, v46  }
0x155: {  	[tilespmem:s21+$0xF430] =	vst.add.f32.msk $0xffff, v47  }
0x156: {  	[tilespmem:s21+$0xF440] =	vst.add.f32.msk $0xffff, v48  }
0x157: {  	[tilespmem:s21+$0xF450] =	vst.add.f32.msk $0xffff, v49  }
0x158: {  	[tilespmem:s21+$0xF460] =	vst.add.f32.msk $0xffff, v50  }
0x159: {  	[tilespmem:s21+$0xF470] =	vst.add.f32.msk $0xffff, v51  }
0x15a: {  	[tilespmem:s21+$0xF800] =	vst.add.f32.msk $0xffff, v52  }
0x15b: {  	[tilespmem:s21+$0xF810] =	vst.add.f32.msk $0xffff, v53  }
0x15c: {  	[tilespmem:s21+$0xF820] =	vst.add.f32.msk $0xffff, v54  }
0x15d: {  	[tilespmem:s21+$0xF830] =	vst.add.f32.msk $0xffff, v55  }
0x15e: {  	[tilespmem:s21+$0xF840] =	vst.add.f32.msk $0xffff, v56  }
0x15f: {  	[tilespmem:s21+$0xF850] =	vst.add.f32.msk $0xffff, v57  }
0x160: {  	[tilespmem:s21+$0xF860] =	vst.add.f32.msk $0xffff, v58  }
0x161: {  	[tilespmem:s21+$0xF870] =	vst.add.f32.msk $0xffff, v59  }
.Ltmp0:
0x162: {  	[tilespmem:s21+$0xFC00] =	vst.add.f32.msk $0xffff, v60;
	(pc) =	sbr.rel @p1 .LBB2_3-.Ltmp0, $4  }
0x163: {  	[tilespmem:s21+$0xFC10] =	vst.add.f32.msk $0xffff, v61  }
0x164: {  	[tilespmem:s21+$0xFC20] =	vst.add.f32.msk $0xffff, v62  }
0x165: {  	s22 =	sadd.s32 $0x80, s22;
	[tilespmem:s21+$0xFC30] =	vst.add.f32.msk $0xffff, v63  }
0x166: {  	s24 =	sand.u32 $0x2000, s23;
	s25 =	sand.u32 $0x380, s22;
	s23 =	sadd.s32 $0x400, s23;
	[tilespmem:s21+$0xFC40] =	vst.add.f32.msk $0xffff, v5  }
0x167: {  	s22 =	sor.u32 s24, s25;
	[tilespmem:s21+$0xFC50] =	vst.add.f32.msk $0xffff, v4  }
0x168: {  	[tilespmem:s21+$0xFC60] =	vst.add.f32.msk $0xffff, v3;
	s22 =	sor.u32 s20, s22  }
0x169: {  	v0 =	vld [tilespmem:s22+$0x3C70]  }
0x16a: {  	v2 =	vld [tilespmem:s22+$0x2000]  }
0x16b: {  	v3 =	vld [tilespmem:s22+$0x2010]  }
0x16c: {  	v4 =	vld [tilespmem:s22+$0x2020]  }
0x16d: {  	v5 =	vld [tilespmem:s22+$0x2030]  }
0x16e: {  	v6 =	vld [tilespmem:s22+$0x2050]  }
0x16f: {  	v7 =	vld [tilespmem:s22+$0x2060]  }
0x170: {  	v8 =	vld [tilespmem:s22+$0x2070]  }
0x171: {  	v9 =	vld [tilespmem:s22+$0x2400]  }
0x172: {  	v10 =	vld [tilespmem:s22+$0x2410]  }
0x173: {  	v11 =	vld [tilespmem:s22+$0x2420]  }
0x174: {  	v12 =	vld [tilespmem:s22+$0x2430]  }
0x175: {  	v13 =	vld [tilespmem:s22+$0x2440]  }
0x176: {  	v14 =	vld [tilespmem:s22+$0x2450]  }
0x177: {  	v15 =	vld [tilespmem:s22+$0x2460]  }
0x178: {  	v16 =	vld [tilespmem:s22+$0x2470]  }
0x179: {  	v17 =	vld [tilespmem:s22+$0x2800]  }
0x17a: {  	v18 =	vld [tilespmem:s22+$0x2810]  }
0x17b: {  	v19 =	vld [tilespmem:s22+$0x2820]  }
0x17c: {  	v20 =	vld [tilespmem:s22+$0x2830]  }
0x17d: {  	v21 =	vld [tilespmem:s22+$0x2840]  }
0x17e: {  	v22 =	vld [tilespmem:s22+$0x2850]  }
0x17f: {  	v23 =	vld [tilespmem:s22+$0x2860]  }
0x180: {  	v24 =	vld [tilespmem:s22+$0x2870]  }
0x181: {  	v25 =	vld [tilespmem:s22+$0x2C00]  }
0x182: {  	v26 =	vld [tilespmem:s22+$0x2C10]  }
0x183: {  	v27 =	vld [tilespmem:s22+$0x2C20]  }
0x184: {  	v28 =	vld [tilespmem:s22+$0x2C30]  }
0x185: {  	v29 =	vld [tilespmem:s22+$0x2C40]  }
0x186: {  	v30 =	vld [tilespmem:s22+$0x2C50]  }
0x187: {  	v31 =	vld [tilespmem:s22+$0x2C60]  }
0x188: {  	v32 =	vld [tilespmem:s22+$0x2C70]  }
0x189: {  	v33 =	vld [tilespmem:s22+$0x3000]  }
0x18a: {  	v34 =	vld [tilespmem:s22+$0x3010]  }
0x18b: {  	v35 =	vld [tilespmem:s22+$0x3020]  }
0x18c: {  	v36 =	vld [tilespmem:s22+$0x3030]  }
0x18d: {  	v37 =	vld [tilespmem:s22+$0x3040]  }
0x18e: {  	v38 =	vld [tilespmem:s22+$0x3050]  }
0x18f: {  	v39 =	vld [tilespmem:s22+$0x3060]  }
0x190: {  	v40 =	vld [tilespmem:s22+$0x3070]  }
0x191: {  	v41 =	vld [tilespmem:s22+$0x3400]  }
0x192: {  	v42 =	vld [tilespmem:s22+$0x3410]  }
0x193: {  	v43 =	vld [tilespmem:s22+$0x3420]  }
0x194: {  	v44 =	vld [tilespmem:s22+$0x3430]  }
0x195: {  	v45 =	vld [tilespmem:s22+$0x3440]  }
0x196: {  	v46 =	vld [tilespmem:s22+$0x3450]  }
0x197: {  	v47 =	vld [tilespmem:s22+$0x3460]  }
0x198: {  	v48 =	vld [tilespmem:s22+$0x3470]  }
0x199: {  	v49 =	vld [tilespmem:s22+$0x3800]  }
0x19a: {  	v50 =	vld [tilespmem:s22+$0x3810]  }
0x19b: {  	v51 =	vld [tilespmem:s22+$0x3820]  }
0x19c: {  	v52 =	vld [tilespmem:s22+$0x3830]  }
0x19d: {  	v53 =	vld [tilespmem:s22+$0x3840]  }
0x19e: {  	v54 =	vld [tilespmem:s22+$0x3850]  }
0x19f: {  	v55 =	vld [tilespmem:s22+$0x3860]  }
0x1a0: {  	v56 =	vld [tilespmem:s22+$0x3870]  }
0x1a1: {  	v57 =	vld [tilespmem:s22+$0x3C00]  }
0x1a2: {  	v58 =	vld [tilespmem:s22+$0x3C10]  }
0x1a3: {  	v59 =	vld [tilespmem:s22+$0x3C20]  }
0x1a4: {  	v60 =	vld [tilespmem:s22+$0x3C30]  }
0x1a5: {  	v61 =	vld [tilespmem:s22+$0x3C40]  }
0x1a6: {  	v62 =	vld [tilespmem:s22+$0x3C50]  }
0x1a7: {  	v63 =	vld [tilespmem:s22+$0x3C60]  }
0x1a8: {  	[tilespmem:s22+$0xFC70] =	vst.add.f32.msk $0xffff, v0  }
0x1a9: {  	v0 =	vld [tilespmem:s22+$0x2040]  }
0x1aa: {  	[tilespmem:s22+$0xE000] =	vst.add.f32.msk $0xffff, v2  }
0x1ab: {  	[tilespmem:s22+$0xE010] =	vst.add.f32.msk $0xffff, v3  }
0x1ac: {  	[tilespmem:s22+$0xE020] =	vst.add.f32.msk $0xffff, v4  }
0x1ad: {  	[tilespmem:s22+$0xE030] =	vst.add.f32.msk $0xffff, v5  }
0x1ae: {  	[tilespmem:s22+$0xE050] =	vst.add.f32.msk $0xffff, v6  }
0x1af: {  	[tilespmem:s22+$0xE060] =	vst.add.f32.msk $0xffff, v7  }
0x1b0: {  	[tilespmem:s22+$0xE070] =	vst.add.f32.msk $0xffff, v8  }
0x1b1: {  	[tilespmem:s22+$0xE400] =	vst.add.f32.msk $0xffff, v9  }
0x1b2: {  	[tilespmem:s22+$0xE410] =	vst.add.f32.msk $0xffff, v10  }
0x1b3: {  	[tilespmem:s22+$0xE420] =	vst.add.f32.msk $0xffff, v11  }
0x1b4: {  	[tilespmem:s22+$0xE430] =	vst.add.f32.msk $0xffff, v12  }
0x1b5: {  	[tilespmem:s22+$0xE440] =	vst.add.f32.msk $0xffff, v13  }
0x1b6: {  	[tilespmem:s22+$0xE450] =	vst.add.f32.msk $0xffff, v14  }
0x1b7: {  	[tilespmem:s22+$0xE460] =	vst.add.f32.msk $0xffff, v15  }
0x1b8: {  	[tilespmem:s22+$0xE470] =	vst.add.f32.msk $0xffff, v16  }
0x1b9: {  	[tilespmem:s22+$0xE800] =	vst.add.f32.msk $0xffff, v17  }
0x1ba: {  	[tilespmem:s22+$0xE810] =	vst.add.f32.msk $0xffff, v18  }
0x1bb: {  	[tilespmem:s22+$0xE820] =	vst.add.f32.msk $0xffff, v19  }
0x1bc: {  	[tilespmem:s22+$0xE830] =	vst.add.f32.msk $0xffff, v20  }
0x1bd: {  	[tilespmem:s22+$0xE840] =	vst.add.f32.msk $0xffff, v21  }
0x1be: {  	[tilespmem:s22+$0xE850] =	vst.add.f32.msk $0xffff, v22  }
0x1bf: {  	[tilespmem:s22+$0xE860] =	vst.add.f32.msk $0xffff, v23  }
0x1c0: {  	[tilespmem:s22+$0xE870] =	vst.add.f32.msk $0xffff, v24  }
0x1c1: {  	[tilespmem:s22+$0xEC00] =	vst.add.f32.msk $0xffff, v25  }
0x1c2: {  	[tilespmem:s22+$0xEC10] =	vst.add.f32.msk $0xffff, v26  }
0x1c3: {  	[tilespmem:s22+$0xEC20] =	vst.add.f32.msk $0xffff, v27  }
0x1c4: {  	[tilespmem:s22+$0xEC30] =	vst.add.f32.msk $0xffff, v28  }
0x1c5: {  	[tilespmem:s22+$0xEC40] =	vst.add.f32.msk $0xffff, v29  }
0x1c6: {  	[tilespmem:s22+$0xEC50] =	vst.add.f32.msk $0xffff, v30  }
0x1c7: {  	[tilespmem:s22+$0xEC60] =	vst.add.f32.msk $0xffff, v31  }
0x1c8: {  	[tilespmem:s22+$0xEC70] =	vst.add.f32.msk $0xffff, v32  }
0x1c9: {  	[tilespmem:s22+$0xF000] =	vst.add.f32.msk $0xffff, v33  }
0x1ca: {  	[tilespmem:s22+$0xF010] =	vst.add.f32.msk $0xffff, v34  }
0x1cb: {  	[tilespmem:s22+$0xF020] =	vst.add.f32.msk $0xffff, v35  }
0x1cc: {  	[tilespmem:s22+$0xF030] =	vst.add.f32.msk $0xffff, v36  }
0x1cd: {  	[tilespmem:s22+$0xF040] =	vst.add.f32.msk $0xffff, v37  }
0x1ce: {  	[tilespmem:s22+$0xF050] =	vst.add.f32.msk $0xffff, v38  }
0x1cf: {  	[tilespmem:s22+$0xF060] =	vst.add.f32.msk $0xffff, v39  }
0x1d0: {  	[tilespmem:s22+$0xF070] =	vst.add.f32.msk $0xffff, v40  }
0x1d1: {  	[tilespmem:s22+$0xF400] =	vst.add.f32.msk $0xffff, v41  }
0x1d2: {  	[tilespmem:s22+$0xF410] =	vst.add.f32.msk $0xffff, v42  }
0x1d3: {  	[tilespmem:s22+$0xF420] =	vst.add.f32.msk $0xffff, v43  }
0x1d4: {  	[tilespmem:s22+$0xF430] =	vst.add.f32.msk $0xffff, v44  }
0x1d5: {  	[tilespmem:s22+$0xF440] =	vst.add.f32.msk $0xffff, v45  }
0x1d6: {  	[tilespmem:s22+$0xF450] =	vst.add.f32.msk $0xffff, v46  }
0x1d7: {  	[tilespmem:s22+$0xF460] =	vst.add.f32.msk $0xffff, v47  }
0x1d8: {  	[tilespmem:s22+$0xF470] =	vst.add.f32.msk $0xffff, v48  }
0x1d9: {  	[tilespmem:s22+$0xF800] =	vst.add.f32.msk $0xffff, v49  }
0x1da: {  	[tilespmem:s22+$0xF810] =	vst.add.f32.msk $0xffff, v50  }
0x1db: {  	[tilespmem:s22+$0xF820] =	vst.add.f32.msk $0xffff, v51  }
0x1dc: {  	[tilespmem:s22+$0xF830] =	vst.add.f32.msk $0xffff, v52  }
0x1dd: {  	[tilespmem:s22+$0xF840] =	vst.add.f32.msk $0xffff, v53  }
0x1de: {  	[tilespmem:s22+$0xF850] =	vst.add.f32.msk $0xffff, v54  }
0x1df: {  	[tilespmem:s22+$0xF860] =	vst.add.f32.msk $0xffff, v55  }
0x1e0: {  	[tilespmem:s22+$0xF870] =	vst.add.f32.msk $0xffff, v56  }
0x1e1: {  	[tilespmem:s22+$0xFC00] =	vst.add.f32.msk $0xffff, v57  }
0x1e2: {  	[tilespmem:s22+$0xFC10] =	vst.add.f32.msk $0xffff, v58  }
0x1e3: {  	[tilespmem:s22+$0xFC20] =	vst.add.f32.msk $0xffff, v59  }
0x1e4: {  	[tilespmem:s22+$0xFC30] =	vst.add.f32.msk $0xffff, v60  }
0x1e5: {  	[tilespmem:s22+$0xFC40] =	vst.add.f32.msk $0xffff, v61  }
0x1e6: {  	[tilespmem:s22+$0xFC50] =	vst.add.f32.msk $0xffff, v62  }
0x1e7: {  	s24 =	sshll.u32 s15, $0xB;
	s25 =	sadd.s32 $0xE000, s20;
	p1 =	seq.s32 @!p0 s15, $0x0;
	[tilespmem:s22+$0xFC60] =	vst.add.f32.msk $0xffff, v63  }
0x1e8: {  	s19 =	sadd.s32 $0x7, s19;
	s21 =	sadd.s32 s24, s10;
	p1 =	por p1, p0;
	[tilespmem:s22+$0xE040] =	vst.add.f32.msk $0xffff, v0  }
0x1e9: {  	[hbm4b:s21+s3] =	stream.linear.scatter [tilespmem:s25], [sflag:s19], $0x4000, $0x38;
	[tilespmem:$0x1A000] =	vst v63  }
0x1ea: {  	s19 =	sadd.s32 @!p1 $0x7, s17  }
0x1eb: {  	s18 =	sadd.s32 @!p0 $0xE000, s18;
	s16 =	sshll.u32 @!p0 s16, $0xB;
	_ =	swait.ge @!p1 [sflag:s19], $0x4000  }
0x1ec: {  	s15 =	sadd.s32 $0x1, s15;
	s16 =	sadd.s32 @!p0 s16, s7;
	[sflag:s19] =	ssyncset.done @!p1 $0x0  }
0x1ed: {  	s17 =	sadd.s32 @!p0 $0x4, s17;
	[sflag:s19] =	ssyncadd.s32 @!p1 $0xFFFFC000;
	s19 =	simm.s32 @!p0 $0x0  }
0x1ee: {  	[tilespmem:s18], [sflag:s17] =	stream.linear.gather @!p0 [hbm4b:s16+s19], $0x4000, $0x38;
	[tilespmem:$0x1A000] =	vst v63  }
0x1ef: {  	p0 =	sne.s32 s15, $0x40  }
.Ltmp1:
0x1f0: {  	_ = 	snop;
	(pc) =	sbr.rel @p0 .LBB2_2-.Ltmp1, $1  }
0x1f1: {  	_ =	sdelay $0x3  }
0x1f2: {  	_ =	swait.ge [sflag:s1], $0x4000  }
0x1f3: {  	[sflag:s1] =	ssyncset.done $0x0  }
0x1f4: {  	s14 =	sadd.s32 $0x1, s14;
	[sflag:s1] =	ssyncadd.s32 $0xFFFFC000  }
0x1f5: {  	p0 =	sne.s32 s14, s11;
	_ =	swait.ge [sflag:s0], $0x4000  }
.Ltmp2:
0x1f6: {  	[sflag:s0] =	ssyncset.done $0x0;
	(pc) =	sbr.rel @p0 .LBB2_1-.Ltmp2, $4  }
0x1f7: {  	[sflag:s0] =	ssyncadd.s32 $0xFFFFC000  }
0x1f8: {  	_ =	swait.ge [sflag:s13], $0x4000  }
0x1f9: {  	[sflag:s13] =	ssyncset.done $0x0  }
0x1fa: {  	[sflag:s13] =	ssyncadd.s32 $0xFFFFC000  }
0x1fb: {  	_ =	sfence.sel $0x180000  }
0x1fc: {  	[bflag:$0x0] =	sbarrier.arrive $0xFFFF  }
0x1fd: {  	_ =	strace $0x90000047  }
0x1fe: {  	s0 =	stileid.u32;
	[bflag:$0x2] =	sbarrier.arrive $0xFFFF  }
0x1ff: {  	p0 =	sne.s32 s0, $0x0;
	s0 =	rddreg [dreg:$0x4]  }
0x200: {  	s0 =	sadd.s32 @!p0 $0x100000, s0  }
0x201: {  	[sflag:s0] =	ssyncadd.tile.s32 @!p0 $0x1;
	_ =	shalt  }
.Lfunc_end2:
_tile_overlayer_lowered:
.L_overlay_start_2:
0x202: {  	(tag) =	ssettag $0x2  }
0x203: {  	s0 =	rddreg [dreg:$0x0];
	s2 =	stileid.u32  }
0x204: {  	s1 =	rddreg [dreg:$0x1];
	p0 =	sne.s32 s2, $0x0  }
0x205: {  	s3 =	rddreg [dreg:$0x2];
	[bflag:$0x3] =	sbarrier.arrive $0xFFFF;
	s2 =	simm.s32 @!p0 $0x1C0A  }
0x206: {  	[timem:s3], [sflag:s2] =	dma.local @!p0 [hbm:s0], s1  }
0x207: {  	s0 =	simm.s32 @!p0 $0xA  }
0x208: {  	_ =	swait.ge @!p0 [sflag:s0], s1  }
0x209: {  	s1 =	ssub.s32 @!p0 $0x0, s1;
	[sflag:s0] =	ssyncset.done @!p0 $0x0  }
0x20a: {  	[sflag:s0] =	ssyncadd.s32 @!p0 s1  }
0x20b: {  	[bflag:$0x3] =	sbarrier.arrive $0xFFFF  }
0x20c: {  	_ =	shalt  }

</sc_bundles>
